<compile_context>
chip_gen: v7x
topology: tpu7x:2x2x1
jax: 0.10.2.dev20260603
libtpu: 0.0.44.dev20260713+nightly
codegen_flags: <defaults>
</compile_context>

<pallas_src>
import functools

import jax
import jax.numpy as jnp
from jax import lax
from jax.experimental import pallas as pl
from jax.experimental.pallas import tpu as pltpu
from jax.experimental.pallas import tpu_sc as plsc

N = 10000
D = 128
E = 320000
NCORE = 2
NTILE = 16
NW = NCORE * NTILE
CH = 128
EPW = E // NW
K = -(-EPW // CH)
EPW_PAD = K * CH
PAD_N = 10112
RPT = PAD_N // NTILE
CPAD_N = 10240
CPT = CPAD_N // NTILE


def _mm_body(x_ref, w_ref, b_ref, o_ref):
    o_ref[...] = (
        jnp.dot(x_ref[...], w_ref[0], preferred_element_type=jnp.float32)
        + b_ref[0]
    )


def _matmul(feats, W_all, b_all):
    BM = 2000
    nb = N // BM
    return pl.pallas_call(
        _mm_body,
        grid=(2, nb),
        in_specs=[
            pl.BlockSpec((BM, D), lambda i, j: (i * nb + j, 0)),
            pl.BlockSpec((1, D, D), lambda i, j: (i, 0, 0)),
            pl.BlockSpec((1, 1, D), lambda i, j: (i, 0, 0)),
        ],
        out_specs=pl.BlockSpec((BM, D), lambda i, j: (i * nb + j, 0)),
        out_shape=jax.ShapeDtypeStruct((2 * N, D), jnp.float32),
    )(feats, W_all, b_all)


def _sc_body(wh, src_all, dst_all, zrow,
             sums_out, cnt_out,
             src_v, dst_v, rows_v, ones_v, zv, acc_sh, cnt_sh, sem):
    cid = lax.axis_index("c")
    sid = lax.axis_index("s")
    wid = cid * NTILE + sid
    rbase = sid * RPT
    cbase = sid * CPT

    for i in range(CH // 16):
        ones_v[pl.ds(i * 16, 16)] = jnp.full((16,), 1.0, jnp.float32)
    for i in range(CPT // 16):
        zv[pl.ds(i * 16, 16)] = jnp.zeros((16,), jnp.float32)

    for e in range(2):
        pltpu.sync_copy(zrow.at[pl.ds(rbase, RPT)],
                        acc_sh.at[pl.ds(rbase, RPT)])
        pltpu.sync_copy(zv, cnt_sh.at[pl.ds(cbase, CPT)])
        pltpu.sync_copy(src_all.at[e * NW + wid], src_v)
        pltpu.sync_copy(dst_all.at[e * NW + wid], dst_v)
        plsc.subcore_barrier()

        def chunk(j, carry):
            pltpu.async_copy(wh.at[src_v.at[j]], rows_v, sem).wait()
            pltpu.sync_copy(rows_v, acc_sh.at[dst_v.at[j]], add=True)
            pltpu.sync_copy(ones_v, cnt_sh.at[dst_v.at[j]], add=True)
            return carry

        lax.fori_loop(0, K, chunk, 0)
        plsc.subcore_barrier()

        pltpu.sync_copy(acc_sh.at[pl.ds(rbase, RPT)],
                        sums_out.at[e, cid, pl.ds(rbase, RPT)])
        pltpu.sync_copy(cnt_sh.at[pl.ds(cbase, CPT)],
                        cnt_out.at[pl.ds((e * NCORE + cid) * CPAD_N + cbase,
                                         CPT)])


_sc_segsum = functools.partial(
    pl.kernel,
    out_type=[
        jax.ShapeDtypeStruct((2, NCORE, PAD_N, D), jnp.float32),
        jax.ShapeDtypeStruct((2 * NCORE * CPAD_N,), jnp.float32),
    ],
    mesh=plsc.VectorSubcoreMesh(core_axis_name="c", subcore_axis_name="s"),
    scratch_types=[
        pltpu.VMEM((K, CH), jnp.int32),
        pltpu.VMEM((K, CH), jnp.int32),
        pltpu.VMEM((CH, D), jnp.float32),
        pltpu.VMEM((CH,), jnp.float32),
        pltpu.VMEM((CPT,), jnp.float32),
        pltpu.VMEM_SHARED((PAD_N, D), jnp.float32),
        pltpu.VMEM_SHARED((CPAD_N,), jnp.float32),
        pltpu.SemaphoreType.DMA,
    ],
)(_sc_body)


def _fin_body(s_ref, c_ref, o_ref):
    s = s_ref[0, 0] + s_ref[0, 1]
    c0 = c_ref[0, 0, :PAD_N]
    c1 = c_ref[0, 0, CPAD_N:CPAD_N + PAD_N]
    c = (c0 + c1).reshape(PAD_N, 1)
    o_ref[0] = jnp.maximum(s / jnp.maximum(c, 1.0), 0.0)


def _finalize(sums, cnts):
    return pl.pallas_call(
        _fin_body,
        grid=(2,),
        in_specs=[
            pl.BlockSpec((1, NCORE, PAD_N, D), lambda i: (i, 0, 0, 0)),
            pl.BlockSpec((1, 1, NCORE * CPAD_N), lambda i: (i, 0, 0)),
        ],
        out_specs=pl.BlockSpec((1, PAD_N, D), lambda i: (i, 0, 0)),
        out_shape=jax.ShapeDtypeStruct((2, PAD_N, D), jnp.float32),
    )(sums, cnts)


def _prep_edges(src, dst, src_off):
    src = src.astype(jnp.int32) + src_off
    dst = dst.astype(jnp.int32)
    src = src.reshape(NW, EPW)
    dst = dst.reshape(NW, EPW)
    pad = EPW_PAD - EPW
    src = jnp.pad(src, ((0, 0), (0, pad)), constant_values=0)
    dst = jnp.pad(dst, ((0, 0), (0, pad)), constant_values=N)
    return src.reshape(NW, K, CH), dst.reshape(NW, K, CH)


def kernel(feat_word, feat_doc, W_wd, b_wd, W_dw, b_dw,
           edge_index_wd, edge_index_dw):
    feats = jnp.concatenate([feat_word, feat_doc], axis=0)
    W_all = jnp.stack([W_wd, W_dw])
    b_all = jnp.stack([b_wd, b_dw]).reshape(2, 1, D)
    wh = _matmul(feats, W_all, b_all)

    s_wd, d_wd = _prep_edges(edge_index_wd[0], edge_index_wd[1], 0)
    s_dw, d_dw = _prep_edges(edge_index_dw[0], edge_index_dw[1], N)
    src_all = jnp.concatenate([s_wd, s_dw])
    dst_all = jnp.concatenate([d_wd, d_dw])

    zrow = jnp.zeros((PAD_N, D), jnp.float32)
    sums, cnts = _sc_segsum(wh, src_all, dst_all, zrow)

    h = _finalize(sums, cnts.reshape(2, 1, NCORE * CPAD_N))
    return (h[1, :N], h[0, :N])

# --- scband reference (transcript-rebuilt; emitter-appended) ---
"""Pipeline reference for scband-hetero-rgcnlayer-18691697672931 (READ-ONLY COPY).

The authoritative reference and input builder live on the scoring server;
editing this copy changes nothing except your own understanding.
"""

import jax, jax.numpy as jnp
import numpy as np

N_WORD = 10000
N_DOC = 10000
E = 320000
D_IN = 128
D_OUT = 128


def setup_inputs(seed: int = 0) -> dict:
    key = jax.random.key(seed)
    ks = jax.random.split(key, 8)
    feat_word = jax.random.normal(ks[0], (N_WORD, D_IN), dtype=jnp.float32)
    feat_doc = jax.random.normal(ks[1], (N_DOC, D_IN), dtype=jnp.float32)
    # etype 'wd': src=word, dst=doc ; etype 'dw': src=doc, dst=word
    edge_index_wd = jax.random.randint(ks[2], (2, E), 0, N_WORD, dtype=jnp.int64)
    edge_index_dw = jax.random.randint(ks[3], (2, E), 0, N_DOC, dtype=jnp.int64)
    scale = 1.0 / np.sqrt(D_IN)
    W_wd = jax.random.uniform(ks[4], (D_IN, D_OUT), jnp.float32, -scale, scale)
    b_wd = jax.random.uniform(ks[5], (D_OUT,), jnp.float32, -scale, scale)
    W_dw = jax.random.uniform(ks[6], (D_IN, D_OUT), jnp.float32, -scale, scale)
    b_dw = jax.random.uniform(ks[7], (D_OUT,), jnp.float32, -scale, scale)
    return {
        "feat_word": feat_word,
        "feat_doc": feat_doc,
        "W_wd": W_wd,
        "b_wd": b_wd,
        "W_dw": W_dw,
        "b_dw": b_dw,
        "edge_index_wd": edge_index_wd,
        "edge_index_dw": edge_index_dw,
    }


def _mean_message_passing(Wh_src, src_idx, dst_idx, num_dst):
    # copy_u('Wh','m') then mean('m','h') : gather source messages, segment-mean at dst
    msg = jnp.take(Wh_src, src_idx, axis=0)  # [E, D_OUT] gather
    sums = jax.ops.segment_sum(msg, dst_idx, num_segments=num_dst)  # scatter-add
    cnt = jax.ops.segment_sum(jnp.ones((msg.shape[0],), jnp.float32), dst_idx, num_segments=num_dst)
    return sums / jnp.maximum(cnt, 1.0)[:, None]  # DGL mean gives 0 for isolated nodes


def reference(feat_word, feat_doc, W_wd, b_wd, W_dw, b_dw, edge_index_wd, edge_index_dw):
    # Per-etype linear transform of source features (self.weight[etype])
    Wh_word = feat_word @ W_wd + b_wd  # messages along 'wd' (word -> doc)
    Wh_doc = feat_doc @ W_dw + b_dw    # messages along 'dw' (doc -> word)
    # multi_update_all with per-etype mean reduce, cross-etype 'sum' (single etype per dst here)
    h_doc = _mean_message_passing(Wh_word, edge_index_wd[0], edge_index_wd[1], N_DOC)
    h_word = _mean_message_passing(Wh_doc, edge_index_dw[0], edge_index_dw[1], N_WORD)
    # activation + dropout (dropout p=0.0 -> identity)
    h_word = jax.nn.relu(h_word)
    h_doc = jax.nn.relu(h_doc)
    return (h_word, h_doc)

if __name__ == "__main__":
    import jax
    _d = setup_inputs()
    print(jax.jit(kernel)(*tuple(_d.values())))

</pallas_src>

<mosaic_0001>
#map = affine_map<(d0, d1) -> (0, 0)>
#map1 = affine_map<(d0, d1) -> (0, 0, 0)>
#map2 = affine_map<(d0, d1) -> (0, 0, 0, 0)>
#map3 = affine_map<(d0, d1) -> (0)>
module attributes {stable_mosaic.version = 14 : i64} {
  func.func @_sc_body(%arg0: i32, %arg1: i32, %arg2: memref<20000x128xf32, #tpu.memory_space<hbm>>, %arg3: memref<64x79x128xi32, #tpu.memory_space<hbm>>, %arg4: memref<64x79x128xi32, #tpu.memory_space<hbm>>, %arg5: memref<10112x128xf32, #tpu.memory_space<hbm>>, %arg6: memref<2x2x10112x128xf32, #tpu.memory_space<hbm>>, %arg7: memref<40960xf32, #tpu.memory_space<hbm>>, %arg8: memref<79x128xi32, #tpu.memory_space<vmem>>, %arg9: memref<79x128xi32, #tpu.memory_space<vmem>>, %arg10: memref<128x128xf32, #tpu.memory_space<vmem>>, %arg11: memref<128xf32, #tpu.memory_space<vmem>>, %arg12: memref<640xf32, #tpu.memory_space<vmem>>, %arg13: memref<10112x128xf32, #tpu.memory_space<vmem_shared>>, %arg14: memref<10240xf32, #tpu.memory_space<vmem_shared>>, %arg15: memref<!tpu.dma_semaphore, #tpu.memory_space<semaphore_mem>>) attributes {dimension_semantics = [#tpu.dimension_semantics<core_parallel>, #tpu.dimension_semantics<subcore_parallel>], iteration_bounds = array<i64: 2, 16>, scalar_prefetch = 0 : i64, scratch_operands = 8 : i64, tpu.core_type = #tpu.core_type<sc_vector_subcore>, window_params = [{transform_indices = #map}, {transform_indices = #map1}, {transform_indices = #map1}, {transform_indices = #map}, {transform_indices = #map2}, {transform_indices = #map3}]} {
    %mul3A = arith.constant 16 : i32
    %mul3A_0 = arith.muli %arg0, %mul3A : i32
    %add3A = arith.addi %mul3A_0, %arg1 : i32
    %mul3A_1 = arith.constant 632 : i32
    %mul3A_2 = arith.muli %arg1, %mul3A_1 : i32
    %mul3A_3 = arith.constant 640 : i32
    %mul3A_4 = arith.muli %arg1, %mul3A_3 : i32
    %broadcast_in_dim3A = arith.constant 1.000000e+00 : f32
    %broadcast_in_dim3A_5 = vector.broadcast %broadcast_in_dim3A : f32 to vector<16xf32>
    %swap3A = arith.constant 0 : index
    %swap3A_6 = tpu.vector_load %arg11[%swap3A] {strides = array<i32>} : memref<128xf32, #tpu.memory_space<vmem>>, vector<16xf32>,
    %swap3A_7 = vector.shape_cast %swap3A_6 : vector<16xf32> to vector<16xf32>
    %swap3A_8 = vector.shape_cast %broadcast_in_dim3A_5 : vector<16xf32> to vector<16xf32>
    tpu.vector_store %arg11[%swap3A], %swap3A_8 {strides = array<i32>} : memref<128xf32, #tpu.memory_space<vmem>>, vector<16xf32>,
    %broadcast_in_dim3A_9 = arith.constant 1.000000e+00 : f32
    %broadcast_in_dim3A_10 = vector.broadcast %broadcast_in_dim3A_9 : f32 to vector<16xf32>
    %swap3A_11 = arith.constant 16 : index
    %swap3A_12 = tpu.vector_load %arg11[%swap3A_11] {strides = array<i32>} : memref<128xf32, #tpu.memory_space<vmem>>, vector<16xf32>,
    %swap3A_13 = vector.shape_cast %swap3A_12 : vector<16xf32> to vector<16xf32>
    %swap3A_14 = vector.shape_cast %broadcast_in_dim3A_10 : vector<16xf32> to vector<16xf32>
    tpu.vector_store %arg11[%swap3A_11], %swap3A_14 {strides = array<i32>} : memref<128xf32, #tpu.memory_space<vmem>>, vector<16xf32>,
    %broadcast_in_dim3A_15 = arith.constant 1.000000e+00 : f32
    %broadcast_in_dim3A_16 = vector.broadcast %broadcast_in_dim3A_15 : f32 to vector<16xf32>
    %swap3A_17 = arith.constant 32 : index
    %swap3A_18 = tpu.vector_load %arg11[%swap3A_17] {strides = array<i32>} : memref<128xf32, #tpu.memory_space<vmem>>, vector<16xf32>,
    %swap3A_19 = vector.shape_cast %swap3A_18 : vector<16xf32> to vector<16xf32>
    %swap3A_20 = vector.shape_cast %broadcast_in_dim3A_16 : vector<16xf32> to vector<16xf32>
    tpu.vector_store %arg11[%swap3A_17], %swap3A_20 {strides = array<i32>} : memref<128xf32, #tpu.memory_space<vmem>>, vector<16xf32>,
    %broadcast_in_dim3A_21 = arith.constant 1.000000e+00 : f32
    %broadcast_in_dim3A_22 = vector.broadcast %broadcast_in_dim3A_21 : f32 to vector<16xf32>
    %swap3A_23 = arith.constant 48 : index
    %swap3A_24 = tpu.vector_load %arg11[%swap3A_23] {strides = array<i32>} : memref<128xf32, #tpu.memory_space<vmem>>, vector<16xf32>,
    %swap3A_25 = vector.shape_cast %swap3A_24 : vector<16xf32> to vector<16xf32>
    %swap3A_26 = vector.shape_cast %broadcast_in_dim3A_22 : vector<16xf32> to vector<16xf32>
    tpu.vector_store %arg11[%swap3A_23], %swap3A_26 {strides = array<i32>} : memref<128xf32, #tpu.memory_space<vmem>>, vector<16xf32>,
    %broadcast_in_dim3A_27 = arith.constant 1.000000e+00 : f32
    %broadcast_in_dim3A_28 = vector.broadcast %broadcast_in_dim3A_27 : f32 to vector<16xf32>
    %swap3A_29 = arith.constant 64 : index
    %swap3A_30 = tpu.vector_load %arg11[%swap3A_29] {strides = array<i32>} : memref<128xf32, #tpu.memory_space<vmem>>, vector<16xf32>,
    %swap3A_31 = vector.shape_cast %swap3A_30 : vector<16xf32> to vector<16xf32>
    %swap3A_32 = vector.shape_cast %broadcast_in_dim3A_28 : vector<16xf32> to vector<16xf32>
    tpu.vector_store %arg11[%swap3A_29], %swap3A_32 {strides = array<i32>} : memref<128xf32, #tpu.memory_space<vmem>>, vector<16xf32>,
    %broadcast_in_dim3A_33 = arith.constant 1.000000e+00 : f32
    %broadcast_in_dim3A_34 = vector.broadcast %broadcast_in_dim3A_33 : f32 to vector<16xf32>
    %swap3A_35 = arith.constant 80 : index
    %swap3A_36 = tpu.vector_load %arg11[%swap3A_35] {strides = array<i32>} : memref<128xf32, #tpu.memory_space<vmem>>, vector<16xf32>,
    %swap3A_37 = vector.shape_cast %swap3A_36 : vector<16xf32> to vector<16xf32>
    %swap3A_38 = vector.shape_cast %broadcast_in_dim3A_34 : vector<16xf32> to vector<16xf32>
    tpu.vector_store %arg11[%swap3A_35], %swap3A_38 {strides = array<i32>} : memref<128xf32, #tpu.memory_space<vmem>>, vector<16xf32>,
    %broadcast_in_dim3A_39 = arith.constant 1.000000e+00 : f32
    %broadcast_in_dim3A_40 = vector.broadcast %broadcast_in_dim3A_39 : f32 to vector<16xf32>
    %swap3A_41 = arith.constant 96 : index
    %swap3A_42 = tpu.vector_load %arg11[%swap3A_41] {strides = array<i32>} : memref<128xf32, #tpu.memory_space<vmem>>, vector<16xf32>,
    %swap3A_43 = vector.shape_cast %swap3A_42 : vector<16xf32> to vector<16xf32>
    %swap3A_44 = vector.shape_cast %broadcast_in_dim3A_40 : vector<16xf32> to vector<16xf32>
    tpu.vector_store %arg11[%swap3A_41], %swap3A_44 {strides = array<i32>} : memref<128xf32, #tpu.memory_space<vmem>>, vector<16xf32>,
    %broadcast_in_dim3A_45 = arith.constant 1.000000e+00 : f32
    %broadcast_in_dim3A_46 = vector.broadcast %broadcast_in_dim3A_45 : f32 to vector<16xf32>
    %swap3A_47 = arith.constant 112 : index
    %swap3A_48 = tpu.vector_load %arg11[%swap3A_47] {strides = array<i32>} : memref<128xf32, #tpu.memory_space<vmem>>, vector<16xf32>,
    %swap3A_49 = vector.shape_cast %swap3A_48 : vector<16xf32> to vector<16xf32>
    %swap3A_50 = vector.shape_cast %broadcast_in_dim3A_46 : vector<16xf32> to vector<16xf32>
    tpu.vector_store %arg11[%swap3A_47], %swap3A_50 {strides = array<i32>} : memref<128xf32, #tpu.memory_space<vmem>>, vector<16xf32>,
    %broadcast_in_dim3A_51 = arith.constant 0.000000e+00 : f32
    %broadcast_in_dim3A_52 = vector.broadcast %broadcast_in_dim3A_51 : f32 to vector<16xf32>
    %swap3A_53 = arith.constant 0 : index
    %swap3A_54 = tpu.vector_load %arg12[%swap3A_53] {strides = array<i32>} : memref<640xf32, #tpu.memory_space<vmem>>, vector<16xf32>,
    %swap3A_55 = vector.shape_cast %swap3A_54 : vector<16xf32> to vector<16xf32>
    %swap3A_56 = vector.shape_cast %broadcast_in_dim3A_52 : vector<16xf32> to vector<16xf32>
    tpu.vector_store %arg12[%swap3A_53], %swap3A_56 {strides = array<i32>} : memref<640xf32, #tpu.memory_space<vmem>>, vector<16xf32>,
    %broadcast_in_dim3A_57 = arith.constant 0.000000e+00 : f32
    %broadcast_in_dim3A_58 = vector.broadcast %broadcast_in_dim3A_57 : f32 to vector<16xf32>
    %swap3A_59 = arith.constant 16 : index
    %swap3A_60 = tpu.vector_load %arg12[%swap3A_59] {strides = array<i32>} : memref<640xf32, #tpu.memory_space<vmem>>, vector<16xf32>,
    %swap3A_61 = vector.shape_cast %swap3A_60 : vector<16xf32> to vector<16xf32>
    %swap3A_62 = vector.shape_cast %broadcast_in_dim3A_58 : vector<16xf32> to vector<16xf32>
    tpu.vector_store %arg12[%swap3A_59], %swap3A_62 {strides = array<i32>} : memref<640xf32, #tpu.memory_space<vmem>>, vector<16xf32>,
    %broadcast_in_dim3A_63 = arith.constant 0.000000e+00 : f32
    %broadcast_in_dim3A_64 = vector.broadcast %broadcast_in_dim3A_63 : f32 to vector<16xf32>
    %swap3A_65 = arith.constant 32 : index
    %swap3A_66 = tpu.vector_load %arg12[%swap3A_65] {strides = array<i32>} : memref<640xf32, #tpu.memory_space<vmem>>, vector<16xf32>,
    %swap3A_67 = vector.shape_cast %swap3A_66 : vector<16xf32> to vector<16xf32>
    %swap3A_68 = vector.shape_cast %broadcast_in_dim3A_64 : vector<16xf32> to vector<16xf32>
    tpu.vector_store %arg12[%swap3A_65], %swap3A_68 {strides = array<i32>} : memref<640xf32, #tpu.memory_space<vmem>>, vector<16xf32>,
    %broadcast_in_dim3A_69 = arith.constant 0.000000e+00 : f32
    %broadcast_in_dim3A_70 = vector.broadcast %broadcast_in_dim3A_69 : f32 to vector<16xf32>
    %swap3A_71 = arith.constant 48 : index
    %swap3A_72 = tpu.vector_load %arg12[%swap3A_71] {strides = array<i32>} : memref<640xf32, #tpu.memory_space<vmem>>, vector<16xf32>,
    %swap3A_73 = vector.shape_cast %swap3A_72 : vector<16xf32> to vector<16xf32>
    %swap3A_74 = vector.shape_cast %broadcast_in_dim3A_70 : vector<16xf32> to vector<16xf32>
    tpu.vector_store %arg12[%swap3A_71], %swap3A_74 {strides = array<i32>} : memref<640xf32, #tpu.memory_space<vmem>>, vector<16xf32>,
    %broadcast_in_dim3A_75 = arith.constant 0.000000e+00 : f32
    %broadcast_in_dim3A_76 = vector.broadcast %broadcast_in_dim3A_75 : f32 to vector<16xf32>
    %swap3A_77 = arith.constant 64 : index
    %swap3A_78 = tpu.vector_load %arg12[%swap3A_77] {strides = array<i32>} : memref<640xf32, #tpu.memory_space<vmem>>, vector<16xf32>,
    %swap3A_79 = vector.shape_cast %swap3A_78 : vector<16xf32> to vector<16xf32>
    %swap3A_80 = vector.shape_cast %broadcast_in_dim3A_76 : vector<16xf32> to vector<16xf32>
    tpu.vector_store %arg12[%swap3A_77], %swap3A_80 {strides = array<i32>} : memref<640xf32, #tpu.memory_space<vmem>>, vector<16xf32>,
    %broadcast_in_dim3A_81 = arith.constant 0.000000e+00 : f32
    %broadcast_in_dim3A_82 = vector.broadcast %broadcast_in_dim3A_81 : f32 to vector<16xf32>
    %swap3A_83 = arith.constant 80 : index
    %swap3A_84 = tpu.vector_load %arg12[%swap3A_83] {strides = array<i32>} : memref<640xf32, #tpu.memory_space<vmem>>, vector<16xf32>,
    %swap3A_85 = vector.shape_cast %swap3A_84 : vector<16xf32> to vector<16xf32>
    %swap3A_86 = vector.shape_cast %broadcast_in_dim3A_82 : vector<16xf32> to vector<16xf32>
    tpu.vector_store %arg12[%swap3A_83], %swap3A_86 {strides = array<i32>} : memref<640xf32, #tpu.memory_space<vmem>>, vector<16xf32>,
    %broadcast_in_dim3A_87 = arith.constant 0.000000e+00 : f32
    %broadcast_in_dim3A_88 = vector.broadcast %broadcast_in_dim3A_87 : f32 to vector<16xf32>
    %swap3A_89 = arith.constant 96 : index
    %swap3A_90 = tpu.vector_load %arg12[%swap3A_89] {strides = array<i32>} : memref<640xf32, #tpu.memory_space<vmem>>, vector<16xf32>,
    %swap3A_91 = vector.shape_cast %swap3A_90 : vector<16xf32> to vector<16xf32>
    %swap3A_92 = vector.shape_cast %broadcast_in_dim3A_88 : vector<16xf32> to vector<16xf32>
    tpu.vector_store %arg12[%swap3A_89], %swap3A_92 {strides = array<i32>} : memref<640xf32, #tpu.memory_space<vmem>>, vector<16xf32>,
    %broadcast_in_dim3A_93 = arith.constant 0.000000e+00 : f32
    %broadcast_in_dim3A_94 = vector.broadcast %broadcast_in_dim3A_93 : f32 to vector<16xf32>
    %swap3A_95 = arith.constant 112 : index
    %swap3A_96 = tpu.vector_load %arg12[%swap3A_95] {strides = array<i32>} : memref<640xf32, #tpu.memory_space<vmem>>, vector<16xf32>,
    %swap3A_97 = vector.shape_cast %swap3A_96 : vector<16xf32> to vector<16xf32>
    %swap3A_98 = vector.shape_cast %broadcast_in_dim3A_94 : vector<16xf32> to vector<16xf32>
    tpu.vector_store %arg12[%swap3A_95], %swap3A_98 {strides = array<i32>} : memref<640xf32, #tpu.memory_space<vmem>>, vector<16xf32>,
    %broadcast_in_dim3A_99 = arith.constant 0.000000e+00 : f32
    %broadcast_in_dim3A_100 = vector.broadcast %broadcast_in_dim3A_99 : f32 to vector<16xf32>
    %swap3A_101 = arith.constant 128 : index
    %swap3A_102 = tpu.vector_load %arg12[%swap3A_101] {strides = array<i32>} : memref<640xf32, #tpu.memory_space<vmem>>, vector<16xf32>,
    %swap3A_103 = vector.shape_cast %swap3A_102 : vector<16xf32> to vector<16xf32>
    %swap3A_104 = vector.shape_cast %broadcast_in_dim3A_100 : vector<16xf32> to vector<16xf32>
    tpu.vector_store %arg12[%swap3A_101], %swap3A_104 {strides = array<i32>} : memref<640xf32, #tpu.memory_space<vmem>>, vector<16xf32>,
    %broadcast_in_dim3A_105 = arith.constant 0.000000e+00 : f32
    %broadcast_in_dim3A_106 = vector.broadcast %broadcast_in_dim3A_105 : f32 to vector<16xf32>
    %swap3A_107 = arith.constant 144 : index
    %swap3A_108 = tpu.vector_load %arg12[%swap3A_107] {strides = array<i32>} : memref<640xf32, #tpu.memory_space<vmem>>, vector<16xf32>,
    %swap3A_109 = vector.shape_cast %swap3A_108 : vector<16xf32> to vector<16xf32>
    %swap3A_110 = vector.shape_cast %broadcast_in_dim3A_106 : vector<16xf32> to vector<16xf32>
    tpu.vector_store %arg12[%swap3A_107], %swap3A_110 {strides = array<i32>} : memref<640xf32, #tpu.memory_space<vmem>>, vector<16xf32>,
    %broadcast_in_dim3A_111 = arith.constant 0.000000e+00 : f32
    %broadcast_in_dim3A_112 = vector.broadcast %broadcast_in_dim3A_111 : f32 to vector<16xf32>
    %swap3A_113 = arith.constant 160 : index
    %swap3A_114 = tpu.vector_load %arg12[%swap3A_113] {strides = array<i32>} : memref<640xf32, #tpu.memory_space<vmem>>, vector<16xf32>,
    %swap3A_115 = vector.shape_cast %swap3A_114 : vector<16xf32> to vector<16xf32>
    %swap3A_116 = vector.shape_cast %broadcast_in_dim3A_112 : vector<16xf32> to vector<16xf32>
    tpu.vector_store %arg12[%swap3A_113], %swap3A_116 {strides = array<i32>} : memref<640xf32, #tpu.memory_space<vmem>>, vector<16xf32>,
    %broadcast_in_dim3A_117 = arith.constant 0.000000e+00 : f32
    %broadcast_in_dim3A_118 = vector.broadcast %broadcast_in_dim3A_117 : f32 to vector<16xf32>
    %swap3A_119 = arith.constant 176 : index
    %swap3A_120 = tpu.vector_load %arg12[%swap3A_119] {strides = array<i32>} : memref<640xf32, #tpu.memory_space<vmem>>, vector<16xf32>,
    %swap3A_121 = vector.shape_cast %swap3A_120 : vector<16xf32> to vector<16xf32>
    %swap3A_122 = vector.shape_cast %broadcast_in_dim3A_118 : vector<16xf32> to vector<16xf32>
    tpu.vector_store %arg12[%swap3A_119], %swap3A_122 {strides = array<i32>} : memref<640xf32, #tpu.memory_space<vmem>>, vector<16xf32>,
    %broadcast_in_dim3A_123 = arith.constant 0.000000e+00 : f32
    %broadcast_in_dim3A_124 = vector.broadcast %broadcast_in_dim3A_123 : f32 to vector<16xf32>
    %swap3A_125 = arith.constant 192 : index
    %swap3A_126 = tpu.vector_load %arg12[%swap3A_125] {strides = array<i32>} : memref<640xf32, #tpu.memory_space<vmem>>, vector<16xf32>,
    %swap3A_127 = vector.shape_cast %swap3A_126 : vector<16xf32> to vector<16xf32>
    %swap3A_128 = vector.shape_cast %broadcast_in_dim3A_124 : vector<16xf32> to vector<16xf32>
    tpu.vector_store %arg12[%swap3A_125], %swap3A_128 {strides = array<i32>} : memref<640xf32, #tpu.memory_space<vmem>>, vector<16xf32>,
    %broadcast_in_dim3A_129 = arith.constant 0.000000e+00 : f32
    %broadcast_in_dim3A_130 = vector.broadcast %broadcast_in_dim3A_129 : f32 to vector<16xf32>
    %swap3A_131 = arith.constant 208 : index
    %swap3A_132 = tpu.vector_load %arg12[%swap3A_131] {strides = array<i32>} : memref<640xf32, #tpu.memory_space<vmem>>, vector<16xf32>,
    %swap3A_133 = vector.shape_cast %swap3A_132 : vector<16xf32> to vector<16xf32>
    %swap3A_134 = vector.shape_cast %broadcast_in_dim3A_130 : vector<16xf32> to vector<16xf32>
    tpu.vector_store %arg12[%swap3A_131], %swap3A_134 {strides = array<i32>} : memref<640xf32, #tpu.memory_space<vmem>>, vector<16xf32>,
    %broadcast_in_dim3A_135 = arith.constant 0.000000e+00 : f32
    %broadcast_in_dim3A_136 = vector.broadcast %broadcast_in_dim3A_135 : f32 to vector<16xf32>
    %swap3A_137 = arith.constant 224 : index
    %swap3A_138 = tpu.vector_load %arg12[%swap3A_137] {strides = array<i32>} : memref<640xf32, #tpu.memory_space<vmem>>, vector<16xf32>,
    %swap3A_139 = vector.shape_cast %swap3A_138 : vector<16xf32> to vector<16xf32>
    %swap3A_140 = vector.shape_cast %broadcast_in_dim3A_136 : vector<16xf32> to vector<16xf32>
    tpu.vector_store %arg12[%swap3A_137], %swap3A_140 {strides = array<i32>} : memref<640xf32, #tpu.memory_space<vmem>>, vector<16xf32>,
    %broadcast_in_dim3A_141 = arith.constant 0.000000e+00 : f32
    %broadcast_in_dim3A_142 = vector.broadcast %broadcast_in_dim3A_141 : f32 to vector<16xf32>
    %swap3A_143 = arith.constant 240 : index
    %swap3A_144 = tpu.vector_load %arg12[%swap3A_143] {strides = array<i32>} : memref<640xf32, #tpu.memory_space<vmem>>, vector<16xf32>,
    %swap3A_145 = vector.shape_cast %swap3A_144 : vector<16xf32> to vector<16xf32>
    %swap3A_146 = vector.shape_cast %broadcast_in_dim3A_142 : vector<16xf32> to vector<16xf32>
    tpu.vector_store %arg12[%swap3A_143], %swap3A_146 {strides = array<i32>} : memref<640xf32, #tpu.memory_space<vmem>>, vector<16xf32>,
    %broadcast_in_dim3A_147 = arith.constant 0.000000e+00 : f32
    %broadcast_in_dim3A_148 = vector.broadcast %broadcast_in_dim3A_147 : f32 to vector<16xf32>
    %swap3A_149 = arith.constant 256 : index
    %swap3A_150 = tpu.vector_load %arg12[%swap3A_149] {strides = array<i32>} : memref<640xf32, #tpu.memory_space<vmem>>, vector<16xf32>,
    %swap3A_151 = vector.shape_cast %swap3A_150 : vector<16xf32> to vector<16xf32>
    %swap3A_152 = vector.shape_cast %broadcast_in_dim3A_148 : vector<16xf32> to vector<16xf32>
    tpu.vector_store %arg12[%swap3A_149], %swap3A_152 {strides = array<i32>} : memref<640xf32, #tpu.memory_space<vmem>>, vector<16xf32>,
    %broadcast_in_dim3A_153 = arith.constant 0.000000e+00 : f32
    %broadcast_in_dim3A_154 = vector.broadcast %broadcast_in_dim3A_153 : f32 to vector<16xf32>
    %swap3A_155 = arith.constant 272 : index
    %swap3A_156 = tpu.vector_load %arg12[%swap3A_155] {strides = array<i32>} : memref<640xf32, #tpu.memory_space<vmem>>, vector<16xf32>,
    %swap3A_157 = vector.shape_cast %swap3A_156 : vector<16xf32> to vector<16xf32>
    %swap3A_158 = vector.shape_cast %broadcast_in_dim3A_154 : vector<16xf32> to vector<16xf32>
    tpu.vector_store %arg12[%swap3A_155], %swap3A_158 {strides = array<i32>} : memref<640xf32, #tpu.memory_space<vmem>>, vector<16xf32>,
    %broadcast_in_dim3A_159 = arith.constant 0.000000e+00 : f32
    %broadcast_in_dim3A_160 = vector.broadcast %broadcast_in_dim3A_159 : f32 to vector<16xf32>
    %swap3A_161 = arith.constant 288 : index
    %swap3A_162 = tpu.vector_load %arg12[%swap3A_161] {strides = array<i32>} : memref<640xf32, #tpu.memory_space<vmem>>, vector<16xf32>,
    %swap3A_163 = vector.shape_cast %swap3A_162 : vector<16xf32> to vector<16xf32>
    %swap3A_164 = vector.shape_cast %broadcast_in_dim3A_160 : vector<16xf32> to vector<16xf32>
    tpu.vector_store %arg12[%swap3A_161], %swap3A_164 {strides = array<i32>} : memref<640xf32, #tpu.memory_space<vmem>>, vector<16xf32>,
    %broadcast_in_dim3A_165 = arith.constant 0.000000e+00 : f32
    %broadcast_in_dim3A_166 = vector.broadcast %broadcast_in_dim3A_165 : f32 to vector<16xf32>
    %swap3A_167 = arith.constant 304 : index
    %swap3A_168 = tpu.vector_load %arg12[%swap3A_167] {strides = array<i32>} : memref<640xf32, #tpu.memory_space<vmem>>, vector<16xf32>,
    %swap3A_169 = vector.shape_cast %swap3A_168 : vector<16xf32> to vector<16xf32>
    %swap3A_170 = vector.shape_cast %broadcast_in_dim3A_166 : vector<16xf32> to vector<16xf32>
    tpu.vector_store %arg12[%swap3A_167], %swap3A_170 {strides = array<i32>} : memref<640xf32, #tpu.memory_space<vmem>>, vector<16xf32>,
    %broadcast_in_dim3A_171 = arith.constant 0.000000e+00 : f32
    %broadcast_in_dim3A_172 = vector.broadcast %broadcast_in_dim3A_171 : f32 to vector<16xf32>
    %swap3A_173 = arith.constant 320 : index
    %swap3A_174 = tpu.vector_load %arg12[%swap3A_173] {strides = array<i32>} : memref<640xf32, #tpu.memory_space<vmem>>, vector<16xf32>,
    %swap3A_175 = vector.shape_cast %swap3A_174 : vector<16xf32> to vector<16xf32>
    %swap3A_176 = vector.shape_cast %broadcast_in_dim3A_172 : vector<16xf32> to vector<16xf32>
    tpu.vector_store %arg12[%swap3A_173], %swap3A_176 {strides = array<i32>} : memref<640xf32, #tpu.memory_space<vmem>>, vector<16xf32>,
    %broadcast_in_dim3A_177 = arith.constant 0.000000e+00 : f32
    %broadcast_in_dim3A_178 = vector.broadcast %broadcast_in_dim3A_177 : f32 to vector<16xf32>
    %swap3A_179 = arith.constant 336 : index
    %swap3A_180 = tpu.vector_load %arg12[%swap3A_179] {strides = array<i32>} : memref<640xf32, #tpu.memory_space<vmem>>, vector<16xf32>,
    %swap3A_181 = vector.shape_cast %swap3A_180 : vector<16xf32> to vector<16xf32>
    %swap3A_182 = vector.shape_cast %broadcast_in_dim3A_178 : vector<16xf32> to vector<16xf32>
    tpu.vector_store %arg12[%swap3A_179], %swap3A_182 {strides = array<i32>} : memref<640xf32, #tpu.memory_space<vmem>>, vector<16xf32>,
    %broadcast_in_dim3A_183 = arith.constant 0.000000e+00 : f32
    %broadcast_in_dim3A_184 = vector.broadcast %broadcast_in_dim3A_183 : f32 to vector<16xf32>
    %swap3A_185 = arith.constant 352 : index
    %swap3A_186 = tpu.vector_load %arg12[%swap3A_185] {strides = array<i32>} : memref<640xf32, #tpu.memory_space<vmem>>, vector<16xf32>,
    %swap3A_187 = vector.shape_cast %swap3A_186 : vector<16xf32> to vector<16xf32>
    %swap3A_188 = vector.shape_cast %broadcast_in_dim3A_184 : vector<16xf32> to vector<16xf32>
    tpu.vector_store %arg12[%swap3A_185], %swap3A_188 {strides = array<i32>} : memref<640xf32, #tpu.memory_space<vmem>>, vector<16xf32>,
    %broadcast_in_dim3A_189 = arith.constant 0.000000e+00 : f32
    %broadcast_in_dim3A_190 = vector.broadcast %broadcast_in_dim3A_189 : f32 to vector<16xf32>
    %swap3A_191 = arith.constant 368 : index
    %swap3A_192 = tpu.vector_load %arg12[%swap3A_191] {strides = array<i32>} : memref<640xf32, #tpu.memory_space<vmem>>, vector<16xf32>,
    %swap3A_193 = vector.shape_cast %swap3A_192 : vector<16xf32> to vector<16xf32>
    %swap3A_194 = vector.shape_cast %broadcast_in_dim3A_190 : vector<16xf32> to vector<16xf32>
    tpu.vector_store %arg12[%swap3A_191], %swap3A_194 {strides = array<i32>} : memref<640xf32, #tpu.memory_space<vmem>>, vector<16xf32>,
    %broadcast_in_dim3A_195 = arith.constant 0.000000e+00 : f32
    %broadcast_in_dim3A_196 = vector.broadcast %broadcast_in_dim3A_195 : f32 to vector<16xf32>
    %swap3A_197 = arith.constant 384 : index
    %swap3A_198 = tpu.vector_load %arg12[%swap3A_197] {strides = array<i32>} : memref<640xf32, #tpu.memory_space<vmem>>, vector<16xf32>,
    %swap3A_199 = vector.shape_cast %swap3A_198 : vector<16xf32> to vector<16xf32>
    %swap3A_200 = vector.shape_cast %broadcast_in_dim3A_196 : vector<16xf32> to vector<16xf32>
    tpu.vector_store %arg12[%swap3A_197], %swap3A_200 {strides = array<i32>} : memref<640xf32, #tpu.memory_space<vmem>>, vector<16xf32>,
    %broadcast_in_dim3A_201 = arith.constant 0.000000e+00 : f32
    %broadcast_in_dim3A_202 = vector.broadcast %broadcast_in_dim3A_201 : f32 to vector<16xf32>
    %swap3A_203 = arith.constant 400 : index
    %swap3A_204 = tpu.vector_load %arg12[%swap3A_203] {strides = array<i32>} : memref<640xf32, #tpu.memory_space<vmem>>, vector<16xf32>,
    %swap3A_205 = vector.shape_cast %swap3A_204 : vector<16xf32> to vector<16xf32>
    %swap3A_206 = vector.shape_cast %broadcast_in_dim3A_202 : vector<16xf32> to vector<16xf32>
    tpu.vector_store %arg12[%swap3A_203], %swap3A_206 {strides = array<i32>} : memref<640xf32, #tpu.memory_space<vmem>>, vector<16xf32>,
    %broadcast_in_dim3A_207 = arith.constant 0.000000e+00 : f32
    %broadcast_in_dim3A_208 = vector.broadcast %broadcast_in_dim3A_207 : f32 to vector<16xf32>
    %swap3A_209 = arith.constant 416 : index
    %swap3A_210 = tpu.vector_load %arg12[%swap3A_209] {strides = array<i32>} : memref<640xf32, #tpu.memory_space<vmem>>, vector<16xf32>,
    %swap3A_211 = vector.shape_cast %swap3A_210 : vector<16xf32> to vector<16xf32>
    %swap3A_212 = vector.shape_cast %broadcast_in_dim3A_208 : vector<16xf32> to vector<16xf32>
    tpu.vector_store %arg12[%swap3A_209], %swap3A_212 {strides = array<i32>} : memref<640xf32, #tpu.memory_space<vmem>>, vector<16xf32>,
    %broadcast_in_dim3A_213 = arith.constant 0.000000e+00 : f32
    %broadcast_in_dim3A_214 = vector.broadcast %broadcast_in_dim3A_213 : f32 to vector<16xf32>
    %swap3A_215 = arith.constant 432 : index
    %swap3A_216 = tpu.vector_load %arg12[%swap3A_215] {strides = array<i32>} : memref<640xf32, #tpu.memory_space<vmem>>, vector<16xf32>,
    %swap3A_217 = vector.shape_cast %swap3A_216 : vector<16xf32> to vector<16xf32>
    %swap3A_218 = vector.shape_cast %broadcast_in_dim3A_214 : vector<16xf32> to vector<16xf32>
    tpu.vector_store %arg12[%swap3A_215], %swap3A_218 {strides = array<i32>} : memref<640xf32, #tpu.memory_space<vmem>>, vector<16xf32>,
    %broadcast_in_dim3A_219 = arith.constant 0.000000e+00 : f32
    %broadcast_in_dim3A_220 = vector.broadcast %broadcast_in_dim3A_219 : f32 to vector<16xf32>
    %swap3A_221 = arith.constant 448 : index
    %swap3A_222 = tpu.vector_load %arg12[%swap3A_221] {strides = array<i32>} : memref<640xf32, #tpu.memory_space<vmem>>, vector<16xf32>,
    %swap3A_223 = vector.shape_cast %swap3A_222 : vector<16xf32> to vector<16xf32>
    %swap3A_224 = vector.shape_cast %broadcast_in_dim3A_220 : vector<16xf32> to vector<16xf32>
    tpu.vector_store %arg12[%swap3A_221], %swap3A_224 {strides = array<i32>} : memref<640xf32, #tpu.memory_space<vmem>>, vector<16xf32>,
    %broadcast_in_dim3A_225 = arith.constant 0.000000e+00 : f32
    %broadcast_in_dim3A_226 = vector.broadcast %broadcast_in_dim3A_225 : f32 to vector<16xf32>
    %swap3A_227 = arith.constant 464 : index
    %swap3A_228 = tpu.vector_load %arg12[%swap3A_227] {strides = array<i32>} : memref<640xf32, #tpu.memory_space<vmem>>, vector<16xf32>,
    %swap3A_229 = vector.shape_cast %swap3A_228 : vector<16xf32> to vector<16xf32>
    %swap3A_230 = vector.shape_cast %broadcast_in_dim3A_226 : vector<16xf32> to vector<16xf32>
    tpu.vector_store %arg12[%swap3A_227], %swap3A_230 {strides = array<i32>} : memref<640xf32, #tpu.memory_space<vmem>>, vector<16xf32>,
    %broadcast_in_dim3A_231 = arith.constant 0.000000e+00 : f32
    %broadcast_in_dim3A_232 = vector.broadcast %broadcast_in_dim3A_231 : f32 to vector<16xf32>
    %swap3A_233 = arith.constant 480 : index
    %swap3A_234 = tpu.vector_load %arg12[%swap3A_233] {strides = array<i32>} : memref<640xf32, #tpu.memory_space<vmem>>, vector<16xf32>,
    %swap3A_235 = vector.shape_cast %swap3A_234 : vector<16xf32> to vector<16xf32>
    %swap3A_236 = vector.shape_cast %broadcast_in_dim3A_232 : vector<16xf32> to vector<16xf32>
    tpu.vector_store %arg12[%swap3A_233], %swap3A_236 {strides = array<i32>} : memref<640xf32, #tpu.memory_space<vmem>>, vector<16xf32>,
    %broadcast_in_dim3A_237 = arith.constant 0.000000e+00 : f32
    %broadcast_in_dim3A_238 = vector.broadcast %broadcast_in_dim3A_237 : f32 to vector<16xf32>
    %swap3A_239 = arith.constant 496 : index
    %swap3A_240 = tpu.vector_load %arg12[%swap3A_239] {strides = array<i32>} : memref<640xf32, #tpu.memory_space<vmem>>, vector<16xf32>,
    %swap3A_241 = vector.shape_cast %swap3A_240 : vector<16xf32> to vector<16xf32>
    %swap3A_242 = vector.shape_cast %broadcast_in_dim3A_238 : vector<16xf32> to vector<16xf32>
    tpu.vector_store %arg12[%swap3A_239], %swap3A_242 {strides = array<i32>} : memref<640xf32, #tpu.memory_space<vmem>>, vector<16xf32>,
    %broadcast_in_dim3A_243 = arith.constant 0.000000e+00 : f32
    %broadcast_in_dim3A_244 = vector.broadcast %broadcast_in_dim3A_243 : f32 to vector<16xf32>
    %swap3A_245 = arith.constant 512 : index
    %swap3A_246 = tpu.vector_load %arg12[%swap3A_245] {strides = array<i32>} : memref<640xf32, #tpu.memory_space<vmem>>, vector<16xf32>,
    %swap3A_247 = vector.shape_cast %swap3A_246 : vector<16xf32> to vector<16xf32>
    %swap3A_248 = vector.shape_cast %broadcast_in_dim3A_244 : vector<16xf32> to vector<16xf32>
    tpu.vector_store %arg12[%swap3A_245], %swap3A_248 {strides = array<i32>} : memref<640xf32, #tpu.memory_space<vmem>>, vector<16xf32>,
    %broadcast_in_dim3A_249 = arith.constant 0.000000e+00 : f32
    %broadcast_in_dim3A_250 = vector.broadcast %broadcast_in_dim3A_249 : f32 to vector<16xf32>
    %swap3A_251 = arith.constant 528 : index
    %swap3A_252 = tpu.vector_load %arg12[%swap3A_251] {strides = array<i32>} : memref<640xf32, #tpu.memory_space<vmem>>, vector<16xf32>,
    %swap3A_253 = vector.shape_cast %swap3A_252 : vector<16xf32> to vector<16xf32>
    %swap3A_254 = vector.shape_cast %broadcast_in_dim3A_250 : vector<16xf32> to vector<16xf32>
    tpu.vector_store %arg12[%swap3A_251], %swap3A_254 {strides = array<i32>} : memref<640xf32, #tpu.memory_space<vmem>>, vector<16xf32>,
    %broadcast_in_dim3A_255 = arith.constant 0.000000e+00 : f32
    %broadcast_in_dim3A_256 = vector.broadcast %broadcast_in_dim3A_255 : f32 to vector<16xf32>
    %swap3A_257 = arith.constant 544 : index
    %swap3A_258 = tpu.vector_load %arg12[%swap3A_257] {strides = array<i32>} : memref<640xf32, #tpu.memory_space<vmem>>, vector<16xf32>,
    %swap3A_259 = vector.shape_cast %swap3A_258 : vector<16xf32> to vector<16xf32>
    %swap3A_260 = vector.shape_cast %broadcast_in_dim3A_256 : vector<16xf32> to vector<16xf32>
    tpu.vector_store %arg12[%swap3A_257], %swap3A_260 {strides = array<i32>} : memref<640xf32, #tpu.memory_space<vmem>>, vector<16xf32>,
    %broadcast_in_dim3A_261 = arith.constant 0.000000e+00 : f32
    %broadcast_in_dim3A_262 = vector.broadcast %broadcast_in_dim3A_261 : f32 to vector<16xf32>
    %swap3A_263 = arith.constant 560 : index
    %swap3A_264 = tpu.vector_load %arg12[%swap3A_263] {strides = array<i32>} : memref<640xf32, #tpu.memory_space<vmem>>, vector<16xf32>,
    %swap3A_265 = vector.shape_cast %swap3A_264 : vector<16xf32> to vector<16xf32>
    %swap3A_266 = vector.shape_cast %broadcast_in_dim3A_262 : vector<16xf32> to vector<16xf32>
    tpu.vector_store %arg12[%swap3A_263], %swap3A_266 {strides = array<i32>} : memref<640xf32, #tpu.memory_space<vmem>>, vector<16xf32>,
    %broadcast_in_dim3A_267 = arith.constant 0.000000e+00 : f32
    %broadcast_in_dim3A_268 = vector.broadcast %broadcast_in_dim3A_267 : f32 to vector<16xf32>
    %swap3A_269 = arith.constant 576 : index
    %swap3A_270 = tpu.vector_load %arg12[%swap3A_269] {strides = array<i32>} : memref<640xf32, #tpu.memory_space<vmem>>, vector<16xf32>,
    %swap3A_271 = vector.shape_cast %swap3A_270 : vector<16xf32> to vector<16xf32>
    %swap3A_272 = vector.shape_cast %broadcast_in_dim3A_268 : vector<16xf32> to vector<16xf32>
    tpu.vector_store %arg12[%swap3A_269], %swap3A_272 {strides = array<i32>} : memref<640xf32, #tpu.memory_space<vmem>>, vector<16xf32>,
    %broadcast_in_dim3A_273 = arith.constant 0.000000e+00 : f32
    %broadcast_in_dim3A_274 = vector.broadcast %broadcast_in_dim3A_273 : f32 to vector<16xf32>
    %swap3A_275 = arith.constant 592 : index
    %swap3A_276 = tpu.vector_load %arg12[%swap3A_275] {strides = array<i32>} : memref<640xf32, #tpu.memory_space<vmem>>, vector<16xf32>,
    %swap3A_277 = vector.shape_cast %swap3A_276 : vector<16xf32> to vector<16xf32>
    %swap3A_278 = vector.shape_cast %broadcast_in_dim3A_274 : vector<16xf32> to vector<16xf32>
    tpu.vector_store %arg12[%swap3A_275], %swap3A_278 {strides = array<i32>} : memref<640xf32, #tpu.memory_space<vmem>>, vector<16xf32>,
    %broadcast_in_dim3A_279 = arith.constant 0.000000e+00 : f32
    %broadcast_in_dim3A_280 = vector.broadcast %broadcast_in_dim3A_279 : f32 to vector<16xf32>
    %swap3A_281 = arith.constant 608 : index
    %swap3A_282 = tpu.vector_load %arg12[%swap3A_281] {strides = array<i32>} : memref<640xf32, #tpu.memory_space<vmem>>, vector<16xf32>,
    %swap3A_283 = vector.shape_cast %swap3A_282 : vector<16xf32> to vector<16xf32>
    %swap3A_284 = vector.shape_cast %broadcast_in_dim3A_280 : vector<16xf32> to vector<16xf32>
    tpu.vector_store %arg12[%swap3A_281], %swap3A_284 {strides = array<i32>} : memref<640xf32, #tpu.memory_space<vmem>>, vector<16xf32>,
    %broadcast_in_dim3A_285 = arith.constant 0.000000e+00 : f32
    %broadcast_in_dim3A_286 = vector.broadcast %broadcast_in_dim3A_285 : f32 to vector<16xf32>
    %swap3A_287 = arith.constant 624 : index
    %swap3A_288 = tpu.vector_load %arg12[%swap3A_287] {strides = array<i32>} : memref<640xf32, #tpu.memory_space<vmem>>, vector<16xf32>,
    %swap3A_289 = vector.shape_cast %swap3A_288 : vector<16xf32> to vector<16xf32>
    %swap3A_290 = vector.shape_cast %broadcast_in_dim3A_286 : vector<16xf32> to vector<16xf32>
    tpu.vector_store %arg12[%swap3A_287], %swap3A_290 {strides = array<i32>} : memref<640xf32, #tpu.memory_space<vmem>>, vector<16xf32>,
    "tpu.region"() ({
      %run_scoped3A_324 = tpu.sem_alloc : memref<!tpu.dma_semaphore, #tpu.memory_space<semaphore_mem>>
      %dma_start3A = arith.constant 0 : i32
      %dma_start3A_325 = tpu.memref_slice %arg13[%mul3A_2, %dma_start3A] : memref<10112x128xf32, #tpu.memory_space<vmem_shared>> -> memref<632x128xf32, #tpu.memory_space<vmem_shared>>
      %dma_start3A_326 = arith.constant 0 : i32
      %dma_start3A_327 = tpu.memref_slice %arg5[%mul3A_2, %dma_start3A_326] : memref<10112x128xf32, #tpu.memory_space<hbm>> -> memref<632x128xf32, #tpu.memory_space<hbm>>
      tpu.enqueue_dma source(%dma_start3A_327 : memref<632x128xf32, #tpu.memory_space<hbm>>) target(%dma_start3A_325 : memref<632x128xf32, #tpu.memory_space<vmem_shared>>) target_semaphore(%run_scoped3A_324 : memref<!tpu.dma_semaphore, #tpu.memory_space<semaphore_mem>>)
      %dma_wait3A = arith.constant 0 : i32
      %dma_wait3A_328 = tpu.memref_slice %arg13[%mul3A_2, %dma_wait3A] : memref<10112x128xf32, #tpu.memory_space<vmem_shared>> -> memref<632x128xf32, #tpu.memory_space<vmem_shared>>
      %dma_wait3A_329 = arith.constant 0 : i32
      %dma_wait3A_330 = tpu.memref_slice %arg5[%mul3A_2, %dma_wait3A_329] : memref<10112x128xf32, #tpu.memory_space<hbm>> -> memref<632x128xf32, #tpu.memory_space<hbm>>
      tpu.wait_dma2 semaphore(%run_scoped3A_324 : memref<!tpu.dma_semaphore, #tpu.memory_space<semaphore_mem>>) src(%dma_wait3A_330 : memref<632x128xf32, #tpu.memory_space<hbm>>) dst(%dma_wait3A_328 : memref<632x128xf32, #tpu.memory_space<vmem_shared>>)
      tpu.yield
    }) : () -> ()
    "tpu.region"() ({
      %run_scoped3A_324 = tpu.sem_alloc : memref<!tpu.dma_semaphore, #tpu.memory_space<semaphore_mem>>
      %dma_start3A = tpu.memref_slice %arg14[%mul3A_4] : memref<10240xf32, #tpu.memory_space<vmem_shared>> -> memref<640xf32, #tpu.memory_space<vmem_shared>>
      %dma_start3A_325 = tpu.memref_slice %arg14[%mul3A_4] : memref<10240xf32, #tpu.memory_space<vmem_shared>> -> memref<640xf32, #tpu.memory_space<vmem_shared>>
      tpu.enqueue_dma source(%arg12 : memref<640xf32, #tpu.memory_space<vmem>>) target(%dma_start3A_325 : memref<640xf32, #tpu.memory_space<vmem_shared>>) target_semaphore(%run_scoped3A_324 : memref<!tpu.dma_semaphore, #tpu.memory_space<semaphore_mem>>)
      %dma_wait3A = tpu.memref_slice %arg14[%mul3A_4] : memref<10240xf32, #tpu.memory_space<vmem_shared>> -> memref<640xf32, #tpu.memory_space<vmem_shared>>
      %dma_wait3A_326 = tpu.memref_slice %arg14[%mul3A_4] : memref<10240xf32, #tpu.memory_space<vmem_shared>> -> memref<640xf32, #tpu.memory_space<vmem_shared>>
      tpu.wait_dma2 semaphore(%run_scoped3A_324 : memref<!tpu.dma_semaphore, #tpu.memory_space<semaphore_mem>>) src(%arg12 : memref<640xf32, #tpu.memory_space<vmem>>) dst(%dma_wait3A_326 : memref<640xf32, #tpu.memory_space<vmem_shared>>)
      tpu.yield
    }) : () -> ()
    %add3A_291 = arith.constant 0 : i32
    %add3A_292 = arith.addi %add3A_291, %add3A : i32
    "tpu.region"() ({
      %run_scoped3A_324 = tpu.sem_alloc : memref<!tpu.dma_semaphore, #tpu.memory_space<semaphore_mem>>
      %dma_start3A = arith.constant 0 : i32
      %dma_start3A_325 = arith.constant 0 : i32
      %dma_start3A_326 = tpu.memref_slice %arg3[%add3A_292, %dma_start3A, %dma_start3A_325] : memref<64x79x128xi32, #tpu.memory_space<hbm>> -> memref<1x79x128xi32, #tpu.memory_space<hbm>>
      %dma_start3A_327 = tpu.memref_squeeze %dma_start3A_326 : memref<1x79x128xi32, #tpu.memory_space<hbm>> -> memref<79x128xi32, #tpu.memory_space<hbm>>
      %dma_start3A_328 = arith.constant 0 : i32
      %dma_start3A_329 = arith.constant 0 : i32
      %dma_start3A_330 = tpu.memref_slice %arg3[%add3A_292, %dma_start3A_328, %dma_start3A_329] : memref<64x79x128xi32, #tpu.memory_space<hbm>> -> memref<1x79x128xi32, #tpu.memory_space<hbm>>
      %dma_start3A_331 = tpu.memref_squeeze %dma_start3A_330 : memref<1x79x128xi32, #tpu.memory_space<hbm>> -> memref<79x128xi32, #tpu.memory_space<hbm>>
      tpu.enqueue_dma source(%dma_start3A_331 : memref<79x128xi32, #tpu.memory_space<hbm>>) target(%arg8 : memref<79x128xi32, #tpu.memory_space<vmem>>) target_semaphore(%run_scoped3A_324 : memref<!tpu.dma_semaphore, #tpu.memory_space<semaphore_mem>>)
      %dma_wait3A = arith.constant 0 : i32
      %dma_wait3A_332 = arith.constant 0 : i32
      %dma_wait3A_333 = tpu.memref_slice %arg3[%add3A_292, %dma_wait3A, %dma_wait3A_332] : memref<64x79x128xi32, #tpu.memory_space<hbm>> -> memref<1x79x128xi32, #tpu.memory_space<hbm>>
      %dma_wait3A_334 = tpu.memref_squeeze %dma_wait3A_333 : memref<1x79x128xi32, #tpu.memory_space<hbm>> -> memref<79x128xi32, #tpu.memory_space<hbm>>
      %dma_wait3A_335 = arith.constant 0 : i32
      %dma_wait3A_336 = arith.constant 0 : i32
      %dma_wait3A_337 = tpu.memref_slice %arg3[%add3A_292, %dma_wait3A_335, %dma_wait3A_336] : memref<64x79x128xi32, #tpu.memory_space<hbm>> -> memref<1x79x128xi32, #tpu.memory_space<hbm>>
      %dma_wait3A_338 = tpu.memref_squeeze %dma_wait3A_337 : memref<1x79x128xi32, #tpu.memory_space<hbm>> -> memref<79x128xi32, #tpu.memory_space<hbm>>
      tpu.wait_dma2 semaphore(%run_scoped3A_324 : memref<!tpu.dma_semaphore, #tpu.memory_space<semaphore_mem>>) src(%dma_wait3A_338 : memref<79x128xi32, #tpu.memory_space<hbm>>) dst(%arg8 : memref<79x128xi32, #tpu.memory_space<vmem>>)
      tpu.yield
    }) : () -> ()
    %add3A_293 = arith.constant 0 : i32
    %add3A_294 = arith.addi %add3A_293, %add3A : i32
    "tpu.region"() ({
      %run_scoped3A_324 = tpu.sem_alloc : memref<!tpu.dma_semaphore, #tpu.memory_space<semaphore_mem>>
      %dma_start3A = arith.constant 0 : i32
      %dma_start3A_325 = arith.constant 0 : i32
      %dma_start3A_326 = tpu.memref_slice %arg4[%add3A_294, %dma_start3A, %dma_start3A_325] : memref<64x79x128xi32, #tpu.memory_space<hbm>> -> memref<1x79x128xi32, #tpu.memory_space<hbm>>
      %dma_start3A_327 = tpu.memref_squeeze %dma_start3A_326 : memref<1x79x128xi32, #tpu.memory_space<hbm>> -> memref<79x128xi32, #tpu.memory_space<hbm>>
      %dma_start3A_328 = arith.constant 0 : i32
      %dma_start3A_329 = arith.constant 0 : i32
      %dma_start3A_330 = tpu.memref_slice %arg4[%add3A_294, %dma_start3A_328, %dma_start3A_329] : memref<64x79x128xi32, #tpu.memory_space<hbm>> -> memref<1x79x128xi32, #tpu.memory_space<hbm>>
      %dma_start3A_331 = tpu.memref_squeeze %dma_start3A_330 : memref<1x79x128xi32, #tpu.memory_space<hbm>> -> memref<79x128xi32, #tpu.memory_space<hbm>>
      tpu.enqueue_dma source(%dma_start3A_331 : memref<79x128xi32, #tpu.memory_space<hbm>>) target(%arg9 : memref<79x128xi32, #tpu.memory_space<vmem>>) target_semaphore(%run_scoped3A_324 : memref<!tpu.dma_semaphore, #tpu.memory_space<semaphore_mem>>)
      %dma_wait3A = arith.constant 0 : i32
      %dma_wait3A_332 = arith.constant 0 : i32
      %dma_wait3A_333 = tpu.memref_slice %arg4[%add3A_294, %dma_wait3A, %dma_wait3A_332] : memref<64x79x128xi32, #tpu.memory_space<hbm>> -> memref<1x79x128xi32, #tpu.memory_space<hbm>>
      %dma_wait3A_334 = tpu.memref_squeeze %dma_wait3A_333 : memref<1x79x128xi32, #tpu.memory_space<hbm>> -> memref<79x128xi32, #tpu.memory_space<hbm>>
      %dma_wait3A_335 = arith.constant 0 : i32
      %dma_wait3A_336 = arith.constant 0 : i32
      %dma_wait3A_337 = tpu.memref_slice %arg4[%add3A_294, %dma_wait3A_335, %dma_wait3A_336] : memref<64x79x128xi32, #tpu.memory_space<hbm>> -> memref<1x79x128xi32, #tpu.memory_space<hbm>>
      %dma_wait3A_338 = tpu.memref_squeeze %dma_wait3A_337 : memref<1x79x128xi32, #tpu.memory_space<hbm>> -> memref<79x128xi32, #tpu.memory_space<hbm>>
      tpu.wait_dma2 semaphore(%run_scoped3A_324 : memref<!tpu.dma_semaphore, #tpu.memory_space<semaphore_mem>>) src(%dma_wait3A_338 : memref<79x128xi32, #tpu.memory_space<hbm>>) dst(%arg9 : memref<79x128xi32, #tpu.memory_space<vmem>>)
      tpu.yield
    }) : () -> ()
    %barrier3A = arith.constant 0 : index
    tpu.barrier barrier_id(%barrier3A)
    %scan3A = arith.constant 0 : i32
    %scan3A_295 = arith.constant 0 : i32
    %scan3A_296 = arith.constant 79 : i32
    %scan3A_297 = arith.addi %scan3A_295, %scan3A_296 : i32
    %scan3A_298 = arith.constant 1 : i32
    scf.for %scan3A_324 = %scan3A_295 to %scan3A_297 step %scan3A_298  : i32 {
      %dma_start3A = arith.constant 0 : i32
      %dma_start3A_325 = tpu.memref_slice %arg8[%scan3A_324, %dma_start3A] : memref<79x128xi32, #tpu.memory_space<vmem>> -> memref<1x128xi32, #tpu.memory_space<vmem>>
      %dma_start3A_326 = tpu.memref_squeeze %dma_start3A_325 : memref<1x128xi32, #tpu.memory_space<vmem>> -> memref<128xi32, #tpu.memory_space<vmem>>
      %dma_start3A_327 = arith.constant 0 : i32
      %dma_start3A_328 = arith.constant 0 : i32
      %dma_start3A_329 = tpu.memref_slice %arg2[%dma_start3A_327, %dma_start3A_328] : memref<20000x128xf32, #tpu.memory_space<hbm>> -> memref<20000x128xf32, #tpu.memory_space<hbm>>
      tpu.enqueue_indirect_dma source(%dma_start3A_329 : memref<20000x128xf32, #tpu.memory_space<hbm>>) target(%arg10 : memref<128x128xf32, #tpu.memory_space<vmem>>) offsets(%dma_start3A_326 : memref<128xi32, #tpu.memory_space<vmem>>) semaphore(%arg15 : memref<!tpu.dma_semaphore, #tpu.memory_space<semaphore_mem>>)
      %dma_wait3A = arith.constant 0 : i32
      %dma_wait3A_330 = tpu.memref_slice %arg8[%scan3A_324, %dma_wait3A] : memref<79x128xi32, #tpu.memory_space<vmem>> -> memref<1x128xi32, #tpu.memory_space<vmem>>
      %dma_wait3A_331 = tpu.memref_squeeze %dma_wait3A_330 : memref<1x128xi32, #tpu.memory_space<vmem>> -> memref<128xi32, #tpu.memory_space<vmem>>
      %dma_wait3A_332 = arith.constant 0 : i32
      %dma_wait3A_333 = arith.constant 0 : i32
      %dma_wait3A_334 = tpu.memref_slice %arg2[%dma_wait3A_332, %dma_wait3A_333] : memref<20000x128xf32, #tpu.memory_space<hbm>> -> memref<20000x128xf32, #tpu.memory_space<hbm>>
      tpu.wait_indirect_dma semaphore(%arg15 : memref<!tpu.dma_semaphore, #tpu.memory_space<semaphore_mem>>) src(%dma_wait3A_334 : memref<20000x128xf32, #tpu.memory_space<hbm>>) dst(%arg10 : memref<128x128xf32, #tpu.memory_space<vmem>>)
      "tpu.region"() ({
        %run_scoped3A_335 = tpu.sem_alloc : memref<!tpu.dma_semaphore, #tpu.memory_space<semaphore_mem>>
        %dma_start3A_336 = arith.constant 0 : i32
        %dma_start3A_337 = tpu.memref_slice %arg9[%scan3A_324, %dma_start3A_336] : memref<79x128xi32, #tpu.memory_space<vmem>> -> memref<1x128xi32, #tpu.memory_space<vmem>>
        %dma_start3A_338 = tpu.memref_squeeze %dma_start3A_337 : memref<1x128xi32, #tpu.memory_space<vmem>> -> memref<128xi32, #tpu.memory_space<vmem>>
        %dma_start3A_339 = arith.constant 0 : i32
        %dma_start3A_340 = arith.constant 0 : i32
        %dma_start3A_341 = tpu.memref_slice %arg13[%dma_start3A_339, %dma_start3A_340] : memref<10112x128xf32, #tpu.memory_space<vmem_shared>> -> memref<10112x128xf32, #tpu.memory_space<vmem_shared>>
        tpu.enqueue_indirect_dma source(%arg10 : memref<128x128xf32, #tpu.memory_space<vmem>>) target(%dma_start3A_341 : memref<10112x128xf32, #tpu.memory_space<vmem_shared>>) offsets(%dma_start3A_338 : memref<128xi32, #tpu.memory_space<vmem>>) semaphore(%run_scoped3A_335 : memref<!tpu.dma_semaphore, #tpu.memory_space<semaphore_mem>>) {add = true}
        %dma_wait3A_342 = arith.constant 0 : i32
        %dma_wait3A_343 = tpu.memref_slice %arg9[%scan3A_324, %dma_wait3A_342] : memref<79x128xi32, #tpu.memory_space<vmem>> -> memref<1x128xi32, #tpu.memory_space<vmem>>
        %dma_wait3A_344 = tpu.memref_squeeze %dma_wait3A_343 : memref<1x128xi32, #tpu.memory_space<vmem>> -> memref<128xi32, #tpu.memory_space<vmem>>
        %dma_wait3A_345 = arith.constant 0 : i32
        %dma_wait3A_346 = arith.constant 0 : i32
        %dma_wait3A_347 = tpu.memref_slice %arg13[%dma_wait3A_345, %dma_wait3A_346] : memref<10112x128xf32, #tpu.memory_space<vmem_shared>> -> memref<10112x128xf32, #tpu.memory_space<vmem_shared>>
        tpu.wait_indirect_dma semaphore(%run_scoped3A_335 : memref<!tpu.dma_semaphore, #tpu.memory_space<semaphore_mem>>) src(%arg10 : memref<128x128xf32, #tpu.memory_space<vmem>>) dst(%dma_wait3A_347 : memref<10112x128xf32, #tpu.memory_space<vmem_shared>>)
        tpu.yield
      }) : () -> ()
      "tpu.region"() ({
        %run_scoped3A_335 = tpu.sem_alloc : memref<!tpu.dma_semaphore, #tpu.memory_space<semaphore_mem>>
        %dma_start3A_336 = arith.constant 0 : i32
        %dma_start3A_337 = tpu.memref_slice %arg9[%scan3A_324, %dma_start3A_336] : memref<79x128xi32, #tpu.memory_space<vmem>> -> memref<1x128xi32, #tpu.memory_space<vmem>>
        %dma_start3A_338 = tpu.memref_squeeze %dma_start3A_337 : memref<1x128xi32, #tpu.memory_space<vmem>> -> memref<128xi32, #tpu.memory_space<vmem>>
        %dma_start3A_339 = arith.constant 0 : i32
        %dma_start3A_340 = tpu.memref_slice %arg14[%dma_start3A_339] : memref<10240xf32, #tpu.memory_space<vmem_shared>> -> memref<10240xf32, #tpu.memory_space<vmem_shared>>
        tpu.enqueue_indirect_dma source(%arg11 : memref<128xf32, #tpu.memory_space<vmem>>) target(%dma_start3A_340 : memref<10240xf32, #tpu.memory_space<vmem_shared>>) offsets(%dma_start3A_338 : memref<128xi32, #tpu.memory_space<vmem>>) semaphore(%run_scoped3A_335 : memref<!tpu.dma_semaphore, #tpu.memory_space<semaphore_mem>>) {add = true}
        %dma_wait3A_341 = arith.constant 0 : i32
        %dma_wait3A_342 = tpu.memref_slice %arg9[%scan3A_324, %dma_wait3A_341] : memref<79x128xi32, #tpu.memory_space<vmem>> -> memref<1x128xi32, #tpu.memory_space<vmem>>
        %dma_wait3A_343 = tpu.memref_squeeze %dma_wait3A_342 : memref<1x128xi32, #tpu.memory_space<vmem>> -> memref<128xi32, #tpu.memory_space<vmem>>
        %dma_wait3A_344 = arith.constant 0 : i32
        %dma_wait3A_345 = tpu.memref_slice %arg14[%dma_wait3A_344] : memref<10240xf32, #tpu.memory_space<vmem_shared>> -> memref<10240xf32, #tpu.memory_space<vmem_shared>>
        tpu.wait_indirect_dma semaphore(%run_scoped3A_335 : memref<!tpu.dma_semaphore, #tpu.memory_space<semaphore_mem>>) src(%arg11 : memref<128xf32, #tpu.memory_space<vmem>>) dst(%dma_wait3A_345 : memref<10240xf32, #tpu.memory_space<vmem_shared>>)
        tpu.yield
      }) : () -> ()
    }
    %scan3A_299 = arith.constant 79 : i32
    %barrier3A_300 = arith.constant 0 : index
    tpu.barrier barrier_id(%barrier3A_300)
    %run_scoped3A = arith.constant 0 : i32
    "tpu.region"() ({
      %run_scoped3A_324 = tpu.sem_alloc : memref<!tpu.dma_semaphore, #tpu.memory_space<semaphore_mem>>
      %dma_start3A = arith.constant 0 : i32
      %dma_start3A_325 = tpu.memref_slice %arg6[%run_scoped3A, %arg0, %mul3A_2, %dma_start3A] : memref<2x2x10112x128xf32, #tpu.memory_space<hbm>> -> memref<1x1x632x128xf32, #tpu.memory_space<hbm>>
      %dma_start3A_326 = tpu.memref_squeeze %dma_start3A_325 : memref<1x1x632x128xf32, #tpu.memory_space<hbm>> -> memref<632x128xf32, #tpu.memory_space<hbm>>
      %dma_start3A_327 = arith.constant 0 : i32
      %dma_start3A_328 = tpu.memref_slice %arg13[%mul3A_2, %dma_start3A_327] : memref<10112x128xf32, #tpu.memory_space<vmem_shared>> -> memref<632x128xf32, #tpu.memory_space<vmem_shared>>
      tpu.enqueue_dma source(%dma_start3A_328 : memref<632x128xf32, #tpu.memory_space<vmem_shared>>) target(%dma_start3A_326 : memref<632x128xf32, #tpu.memory_space<hbm>>) target_semaphore(%run_scoped3A_324 : memref<!tpu.dma_semaphore, #tpu.memory_space<semaphore_mem>>)
      %dma_wait3A = arith.constant 0 : i32
      %dma_wait3A_329 = tpu.memref_slice %arg6[%run_scoped3A, %arg0, %mul3A_2, %dma_wait3A] : memref<2x2x10112x128xf32, #tpu.memory_space<hbm>> -> memref<1x1x632x128xf32, #tpu.memory_space<hbm>>
      %dma_wait3A_330 = tpu.memref_squeeze %dma_wait3A_329 : memref<1x1x632x128xf32, #tpu.memory_space<hbm>> -> memref<632x128xf32, #tpu.memory_space<hbm>>
      %dma_wait3A_331 = arith.constant 0 : i32
      %dma_wait3A_332 = tpu.memref_slice %arg13[%mul3A_2, %dma_wait3A_331] : memref<10112x128xf32, #tpu.memory_space<vmem_shared>> -> memref<632x128xf32, #tpu.memory_space<vmem_shared>>
      tpu.wait_dma2 semaphore(%run_scoped3A_324 : memref<!tpu.dma_semaphore, #tpu.memory_space<semaphore_mem>>) src(%dma_wait3A_332 : memref<632x128xf32, #tpu.memory_space<vmem_shared>>) dst(%dma_wait3A_330 : memref<632x128xf32, #tpu.memory_space<hbm>>)
      tpu.yield
    }) : () -> ()
    %add3A_301 = arith.constant 0 : i32
    %add3A_302 = arith.addi %add3A_301, %arg0 : i32
    %mul3A_303 = arith.constant 10240 : i32
    %mul3A_304 = arith.muli %add3A_302, %mul3A_303 : i32
    %add3A_305 = arith.addi %mul3A_304, %mul3A_4 : i32
    "tpu.region"() ({
      %run_scoped3A_324 = tpu.sem_alloc : memref<!tpu.dma_semaphore, #tpu.memory_space<semaphore_mem>>
      %dma_start3A = tpu.memref_slice %arg7[%add3A_305] : memref<40960xf32, #tpu.memory_space<hbm>> -> memref<640xf32, #tpu.memory_space<hbm>>
      %dma_start3A_325 = tpu.memref_slice %arg14[%mul3A_4] : memref<10240xf32, #tpu.memory_space<vmem_shared>> -> memref<640xf32, #tpu.memory_space<vmem_shared>>
      tpu.enqueue_dma source(%dma_start3A_325 : memref<640xf32, #tpu.memory_space<vmem_shared>>) target(%dma_start3A : memref<640xf32, #tpu.memory_space<hbm>>) target_semaphore(%run_scoped3A_324 : memref<!tpu.dma_semaphore, #tpu.memory_space<semaphore_mem>>)
      %dma_wait3A = tpu.memref_slice %arg7[%add3A_305] : memref<40960xf32, #tpu.memory_space<hbm>> -> memref<640xf32, #tpu.memory_space<hbm>>
      %dma_wait3A_326 = tpu.memref_slice %arg14[%mul3A_4] : memref<10240xf32, #tpu.memory_space<vmem_shared>> -> memref<640xf32, #tpu.memory_space<vmem_shared>>
      tpu.wait_dma2 semaphore(%run_scoped3A_324 : memref<!tpu.dma_semaphore, #tpu.memory_space<semaphore_mem>>) src(%dma_wait3A_326 : memref<640xf32, #tpu.memory_space<vmem_shared>>) dst(%dma_wait3A : memref<640xf32, #tpu.memory_space<hbm>>)
      tpu.yield
    }) : () -> ()
    "tpu.region"() ({
      %run_scoped3A_324 = tpu.sem_alloc : memref<!tpu.dma_semaphore, #tpu.memory_space<semaphore_mem>>
      %dma_start3A = arith.constant 0 : i32
      %dma_start3A_325 = tpu.memref_slice %arg13[%mul3A_2, %dma_start3A] : memref<10112x128xf32, #tpu.memory_space<vmem_shared>> -> memref<632x128xf32, #tpu.memory_space<vmem_shared>>
      %dma_start3A_326 = arith.constant 0 : i32
      %dma_start3A_327 = tpu.memref_slice %arg5[%mul3A_2, %dma_start3A_326] : memref<10112x128xf32, #tpu.memory_space<hbm>> -> memref<632x128xf32, #tpu.memory_space<hbm>>
      tpu.enqueue_dma source(%dma_start3A_327 : memref<632x128xf32, #tpu.memory_space<hbm>>) target(%dma_start3A_325 : memref<632x128xf32, #tpu.memory_space<vmem_shared>>) target_semaphore(%run_scoped3A_324 : memref<!tpu.dma_semaphore, #tpu.memory_space<semaphore_mem>>)
      %dma_wait3A = arith.constant 0 : i32
      %dma_wait3A_328 = tpu.memref_slice %arg13[%mul3A_2, %dma_wait3A] : memref<10112x128xf32, #tpu.memory_space<vmem_shared>> -> memref<632x128xf32, #tpu.memory_space<vmem_shared>>
      %dma_wait3A_329 = arith.constant 0 : i32
      %dma_wait3A_330 = tpu.memref_slice %arg5[%mul3A_2, %dma_wait3A_329] : memref<10112x128xf32, #tpu.memory_space<hbm>> -> memref<632x128xf32, #tpu.memory_space<hbm>>
      tpu.wait_dma2 semaphore(%run_scoped3A_324 : memref<!tpu.dma_semaphore, #tpu.memory_space<semaphore_mem>>) src(%dma_wait3A_330 : memref<632x128xf32, #tpu.memory_space<hbm>>) dst(%dma_wait3A_328 : memref<632x128xf32, #tpu.memory_space<vmem_shared>>)
      tpu.yield
    }) : () -> ()
    "tpu.region"() ({
      %run_scoped3A_324 = tpu.sem_alloc : memref<!tpu.dma_semaphore, #tpu.memory_space<semaphore_mem>>
      %dma_start3A = tpu.memref_slice %arg14[%mul3A_4] : memref<10240xf32, #tpu.memory_space<vmem_shared>> -> memref<640xf32, #tpu.memory_space<vmem_shared>>
      %dma_start3A_325 = tpu.memref_slice %arg14[%mul3A_4] : memref<10240xf32, #tpu.memory_space<vmem_shared>> -> memref<640xf32, #tpu.memory_space<vmem_shared>>
      tpu.enqueue_dma source(%arg12 : memref<640xf32, #tpu.memory_space<vmem>>) target(%dma_start3A_325 : memref<640xf32, #tpu.memory_space<vmem_shared>>) target_semaphore(%run_scoped3A_324 : memref<!tpu.dma_semaphore, #tpu.memory_space<semaphore_mem>>)
      %dma_wait3A = tpu.memref_slice %arg14[%mul3A_4] : memref<10240xf32, #tpu.memory_space<vmem_shared>> -> memref<640xf32, #tpu.memory_space<vmem_shared>>
      %dma_wait3A_326 = tpu.memref_slice %arg14[%mul3A_4] : memref<10240xf32, #tpu.memory_space<vmem_shared>> -> memref<640xf32, #tpu.memory_space<vmem_shared>>
      tpu.wait_dma2 semaphore(%run_scoped3A_324 : memref<!tpu.dma_semaphore, #tpu.memory_space<semaphore_mem>>) src(%arg12 : memref<640xf32, #tpu.memory_space<vmem>>) dst(%dma_wait3A_326 : memref<640xf32, #tpu.memory_space<vmem_shared>>)
      tpu.yield
    }) : () -> ()
    %add3A_306 = arith.constant 32 : i32
    %add3A_307 = arith.addi %add3A_306, %add3A : i32
    "tpu.region"() ({
      %run_scoped3A_324 = tpu.sem_alloc : memref<!tpu.dma_semaphore, #tpu.memory_space<semaphore_mem>>
      %dma_start3A = arith.constant 0 : i32
      %dma_start3A_325 = arith.constant 0 : i32
      %dma_start3A_326 = tpu.memref_slice %arg3[%add3A_307, %dma_start3A, %dma_start3A_325] : memref<64x79x128xi32, #tpu.memory_space<hbm>> -> memref<1x79x128xi32, #tpu.memory_space<hbm>>
      %dma_start3A_327 = tpu.memref_squeeze %dma_start3A_326 : memref<1x79x128xi32, #tpu.memory_space<hbm>> -> memref<79x128xi32, #tpu.memory_space<hbm>>
      %dma_start3A_328 = arith.constant 0 : i32
      %dma_start3A_329 = arith.constant 0 : i32
      %dma_start3A_330 = tpu.memref_slice %arg3[%add3A_307, %dma_start3A_328, %dma_start3A_329] : memref<64x79x128xi32, #tpu.memory_space<hbm>> -> memref<1x79x128xi32, #tpu.memory_space<hbm>>
      %dma_start3A_331 = tpu.memref_squeeze %dma_start3A_330 : memref<1x79x128xi32, #tpu.memory_space<hbm>> -> memref<79x128xi32, #tpu.memory_space<hbm>>
      tpu.enqueue_dma source(%dma_start3A_331 : memref<79x128xi32, #tpu.memory_space<hbm>>) target(%arg8 : memref<79x128xi32, #tpu.memory_space<vmem>>) target_semaphore(%run_scoped3A_324 : memref<!tpu.dma_semaphore, #tpu.memory_space<semaphore_mem>>)
      %dma_wait3A = arith.constant 0 : i32
      %dma_wait3A_332 = arith.constant 0 : i32
      %dma_wait3A_333 = tpu.memref_slice %arg3[%add3A_307, %dma_wait3A, %dma_wait3A_332] : memref<64x79x128xi32, #tpu.memory_space<hbm>> -> memref<1x79x128xi32, #tpu.memory_space<hbm>>
      %dma_wait3A_334 = tpu.memref_squeeze %dma_wait3A_333 : memref<1x79x128xi32, #tpu.memory_space<hbm>> -> memref<79x128xi32, #tpu.memory_space<hbm>>
      %dma_wait3A_335 = arith.constant 0 : i32
      %dma_wait3A_336 = arith.constant 0 : i32
      %dma_wait3A_337 = tpu.memref_slice %arg3[%add3A_307, %dma_wait3A_335, %dma_wait3A_336] : memref<64x79x128xi32, #tpu.memory_space<hbm>> -> memref<1x79x128xi32, #tpu.memory_space<hbm>>
      %dma_wait3A_338 = tpu.memref_squeeze %dma_wait3A_337 : memref<1x79x128xi32, #tpu.memory_space<hbm>> -> memref<79x128xi32, #tpu.memory_space<hbm>>
      tpu.wait_dma2 semaphore(%run_scoped3A_324 : memref<!tpu.dma_semaphore, #tpu.memory_space<semaphore_mem>>) src(%dma_wait3A_338 : memref<79x128xi32, #tpu.memory_space<hbm>>) dst(%arg8 : memref<79x128xi32, #tpu.memory_space<vmem>>)
      tpu.yield
    }) : () -> ()
    %add3A_308 = arith.constant 32 : i32
    %add3A_309 = arith.addi %add3A_308, %add3A : i32
    "tpu.region"() ({
      %run_scoped3A_324 = tpu.sem_alloc : memref<!tpu.dma_semaphore, #tpu.memory_space<semaphore_mem>>
      %dma_start3A = arith.constant 0 : i32
      %dma_start3A_325 = arith.constant 0 : i32
      %dma_start3A_326 = tpu.memref_slice %arg4[%add3A_309, %dma_start3A, %dma_start3A_325] : memref<64x79x128xi32, #tpu.memory_space<hbm>> -> memref<1x79x128xi32, #tpu.memory_space<hbm>>
      %dma_start3A_327 = tpu.memref_squeeze %dma_start3A_326 : memref<1x79x128xi32, #tpu.memory_space<hbm>> -> memref<79x128xi32, #tpu.memory_space<hbm>>
      %dma_start3A_328 = arith.constant 0 : i32
      %dma_start3A_329 = arith.constant 0 : i32
      %dma_start3A_330 = tpu.memref_slice %arg4[%add3A_309, %dma_start3A_328, %dma_start3A_329] : memref<64x79x128xi32, #tpu.memory_space<hbm>> -> memref<1x79x128xi32, #tpu.memory_space<hbm>>
      %dma_start3A_331 = tpu.memref_squeeze %dma_start3A_330 : memref<1x79x128xi32, #tpu.memory_space<hbm>> -> memref<79x128xi32, #tpu.memory_space<hbm>>
      tpu.enqueue_dma source(%dma_start3A_331 : memref<79x128xi32, #tpu.memory_space<hbm>>) target(%arg9 : memref<79x128xi32, #tpu.memory_space<vmem>>) target_semaphore(%run_scoped3A_324 : memref<!tpu.dma_semaphore, #tpu.memory_space<semaphore_mem>>)
      %dma_wait3A = arith.constant 0 : i32
      %dma_wait3A_332 = arith.constant 0 : i32
      %dma_wait3A_333 = tpu.memref_slice %arg4[%add3A_309, %dma_wait3A, %dma_wait3A_332] : memref<64x79x128xi32, #tpu.memory_space<hbm>> -> memref<1x79x128xi32, #tpu.memory_space<hbm>>
      %dma_wait3A_334 = tpu.memref_squeeze %dma_wait3A_333 : memref<1x79x128xi32, #tpu.memory_space<hbm>> -> memref<79x128xi32, #tpu.memory_space<hbm>>
      %dma_wait3A_335 = arith.constant 0 : i32
      %dma_wait3A_336 = arith.constant 0 : i32
      %dma_wait3A_337 = tpu.memref_slice %arg4[%add3A_309, %dma_wait3A_335, %dma_wait3A_336] : memref<64x79x128xi32, #tpu.memory_space<hbm>> -> memref<1x79x128xi32, #tpu.memory_space<hbm>>
      %dma_wait3A_338 = tpu.memref_squeeze %dma_wait3A_337 : memref<1x79x128xi32, #tpu.memory_space<hbm>> -> memref<79x128xi32, #tpu.memory_space<hbm>>
      tpu.wait_dma2 semaphore(%run_scoped3A_324 : memref<!tpu.dma_semaphore, #tpu.memory_space<semaphore_mem>>) src(%dma_wait3A_338 : memref<79x128xi32, #tpu.memory_space<hbm>>) dst(%arg9 : memref<79x128xi32, #tpu.memory_space<vmem>>)
      tpu.yield
    }) : () -> ()
    %barrier3A_310 = arith.constant 0 : index
    tpu.barrier barrier_id(%barrier3A_310)
    %scan3A_311 = arith.constant 0 : i32
    %scan3A_312 = arith.constant 0 : i32
    %scan3A_313 = arith.constant 79 : i32
    %scan3A_314 = arith.addi %scan3A_312, %scan3A_313 : i32
    %scan3A_315 = arith.constant 1 : i32
    scf.for %scan3A_324 = %scan3A_312 to %scan3A_314 step %scan3A_315  : i32 {
      %dma_start3A = arith.constant 0 : i32
      %dma_start3A_325 = tpu.memref_slice %arg8[%scan3A_324, %dma_start3A] : memref<79x128xi32, #tpu.memory_space<vmem>> -> memref<1x128xi32, #tpu.memory_space<vmem>>
      %dma_start3A_326 = tpu.memref_squeeze %dma_start3A_325 : memref<1x128xi32, #tpu.memory_space<vmem>> -> memref<128xi32, #tpu.memory_space<vmem>>
      %dma_start3A_327 = arith.constant 0 : i32
      %dma_start3A_328 = arith.constant 0 : i32
      %dma_start3A_329 = tpu.memref_slice %arg2[%dma_start3A_327, %dma_start3A_328] : memref<20000x128xf32, #tpu.memory_space<hbm>> -> memref<20000x128xf32, #tpu.memory_space<hbm>>
      tpu.enqueue_indirect_dma source(%dma_start3A_329 : memref<20000x128xf32, #tpu.memory_space<hbm>>) target(%arg10 : memref<128x128xf32, #tpu.memory_space<vmem>>) offsets(%dma_start3A_326 : memref<128xi32, #tpu.memory_space<vmem>>) semaphore(%arg15 : memref<!tpu.dma_semaphore, #tpu.memory_space<semaphore_mem>>)
      %dma_wait3A = arith.constant 0 : i32
      %dma_wait3A_330 = tpu.memref_slice %arg8[%scan3A_324, %dma_wait3A] : memref<79x128xi32, #tpu.memory_space<vmem>> -> memref<1x128xi32, #tpu.memory_space<vmem>>
      %dma_wait3A_331 = tpu.memref_squeeze %dma_wait3A_330 : memref<1x128xi32, #tpu.memory_space<vmem>> -> memref<128xi32, #tpu.memory_space<vmem>>
      %dma_wait3A_332 = arith.constant 0 : i32
      %dma_wait3A_333 = arith.constant 0 : i32
      %dma_wait3A_334 = tpu.memref_slice %arg2[%dma_wait3A_332, %dma_wait3A_333] : memref<20000x128xf32, #tpu.memory_space<hbm>> -> memref<20000x128xf32, #tpu.memory_space<hbm>>
      tpu.wait_indirect_dma semaphore(%arg15 : memref<!tpu.dma_semaphore, #tpu.memory_space<semaphore_mem>>) src(%dma_wait3A_334 : memref<20000x128xf32, #tpu.memory_space<hbm>>) dst(%arg10 : memref<128x128xf32, #tpu.memory_space<vmem>>)
      "tpu.region"() ({
        %run_scoped3A_335 = tpu.sem_alloc : memref<!tpu.dma_semaphore, #tpu.memory_space<semaphore_mem>>
        %dma_start3A_336 = arith.constant 0 : i32
        %dma_start3A_337 = tpu.memref_slice %arg9[%scan3A_324, %dma_start3A_336] : memref<79x128xi32, #tpu.memory_space<vmem>> -> memref<1x128xi32, #tpu.memory_space<vmem>>
        %dma_start3A_338 = tpu.memref_squeeze %dma_start3A_337 : memref<1x128xi32, #tpu.memory_space<vmem>> -> memref<128xi32, #tpu.memory_space<vmem>>
        %dma_start3A_339 = arith.constant 0 : i32
        %dma_start3A_340 = arith.constant 0 : i32
        %dma_start3A_341 = tpu.memref_slice %arg13[%dma_start3A_339, %dma_start3A_340] : memref<10112x128xf32, #tpu.memory_space<vmem_shared>> -> memref<10112x128xf32, #tpu.memory_space<vmem_shared>>
        tpu.enqueue_indirect_dma source(%arg10 : memref<128x128xf32, #tpu.memory_space<vmem>>) target(%dma_start3A_341 : memref<10112x128xf32, #tpu.memory_space<vmem_shared>>) offsets(%dma_start3A_338 : memref<128xi32, #tpu.memory_space<vmem>>) semaphore(%run_scoped3A_335 : memref<!tpu.dma_semaphore, #tpu.memory_space<semaphore_mem>>) {add = true}
        %dma_wait3A_342 = arith.constant 0 : i32
        %dma_wait3A_343 = tpu.memref_slice %arg9[%scan3A_324, %dma_wait3A_342] : memref<79x128xi32, #tpu.memory_space<vmem>> -> memref<1x128xi32, #tpu.memory_space<vmem>>
        %dma_wait3A_344 = tpu.memref_squeeze %dma_wait3A_343 : memref<1x128xi32, #tpu.memory_space<vmem>> -> memref<128xi32, #tpu.memory_space<vmem>>
        %dma_wait3A_345 = arith.constant 0 : i32
        %dma_wait3A_346 = arith.constant 0 : i32
        %dma_wait3A_347 = tpu.memref_slice %arg13[%dma_wait3A_345, %dma_wait3A_346] : memref<10112x128xf32, #tpu.memory_space<vmem_shared>> -> memref<10112x128xf32, #tpu.memory_space<vmem_shared>>
        tpu.wait_indirect_dma semaphore(%run_scoped3A_335 : memref<!tpu.dma_semaphore, #tpu.memory_space<semaphore_mem>>) src(%arg10 : memref<128x128xf32, #tpu.memory_space<vmem>>) dst(%dma_wait3A_347 : memref<10112x128xf32, #tpu.memory_space<vmem_shared>>)
        tpu.yield
      }) : () -> ()
      "tpu.region"() ({
        %run_scoped3A_335 = tpu.sem_alloc : memref<!tpu.dma_semaphore, #tpu.memory_space<semaphore_mem>>
        %dma_start3A_336 = arith.constant 0 : i32
        %dma_start3A_337 = tpu.memref_slice %arg9[%scan3A_324, %dma_start3A_336] : memref<79x128xi32, #tpu.memory_space<vmem>> -> memref<1x128xi32, #tpu.memory_space<vmem>>
        %dma_start3A_338 = tpu.memref_squeeze %dma_start3A_337 : memref<1x128xi32, #tpu.memory_space<vmem>> -> memref<128xi32, #tpu.memory_space<vmem>>
        %dma_start3A_339 = arith.constant 0 : i32
        %dma_start3A_340 = tpu.memref_slice %arg14[%dma_start3A_339] : memref<10240xf32, #tpu.memory_space<vmem_shared>> -> memref<10240xf32, #tpu.memory_space<vmem_shared>>
        tpu.enqueue_indirect_dma source(%arg11 : memref<128xf32, #tpu.memory_space<vmem>>) target(%dma_start3A_340 : memref<10240xf32, #tpu.memory_space<vmem_shared>>) offsets(%dma_start3A_338 : memref<128xi32, #tpu.memory_space<vmem>>) semaphore(%run_scoped3A_335 : memref<!tpu.dma_semaphore, #tpu.memory_space<semaphore_mem>>) {add = true}
        %dma_wait3A_341 = arith.constant 0 : i32
        %dma_wait3A_342 = tpu.memref_slice %arg9[%scan3A_324, %dma_wait3A_341] : memref<79x128xi32, #tpu.memory_space<vmem>> -> memref<1x128xi32, #tpu.memory_space<vmem>>
        %dma_wait3A_343 = tpu.memref_squeeze %dma_wait3A_342 : memref<1x128xi32, #tpu.memory_space<vmem>> -> memref<128xi32, #tpu.memory_space<vmem>>
        %dma_wait3A_344 = arith.constant 0 : i32
        %dma_wait3A_345 = tpu.memref_slice %arg14[%dma_wait3A_344] : memref<10240xf32, #tpu.memory_space<vmem_shared>> -> memref<10240xf32, #tpu.memory_space<vmem_shared>>
        tpu.wait_indirect_dma semaphore(%run_scoped3A_335 : memref<!tpu.dma_semaphore, #tpu.memory_space<semaphore_mem>>) src(%arg11 : memref<128xf32, #tpu.memory_space<vmem>>) dst(%dma_wait3A_345 : memref<10240xf32, #tpu.memory_space<vmem_shared>>)
        tpu.yield
      }) : () -> ()
    }
    %scan3A_316 = arith.constant 79 : i32
    %barrier3A_317 = arith.constant 0 : index
    tpu.barrier barrier_id(%barrier3A_317)
    %run_scoped3A_318 = arith.constant 1 : i32
    "tpu.region"() ({
      %run_scoped3A_324 = tpu.sem_alloc : memref<!tpu.dma_semaphore, #tpu.memory_space<semaphore_mem>>
      %dma_start3A = arith.constant 0 : i32
      %dma_start3A_325 = tpu.memref_slice %arg6[%run_scoped3A_318, %arg0, %mul3A_2, %dma_start3A] : memref<2x2x10112x128xf32, #tpu.memory_space<hbm>> -> memref<1x1x632x128xf32, #tpu.memory_space<hbm>>
      %dma_start3A_326 = tpu.memref_squeeze %dma_start3A_325 : memref<1x1x632x128xf32, #tpu.memory_space<hbm>> -> memref<632x128xf32, #tpu.memory_space<hbm>>
      %dma_start3A_327 = arith.constant 0 : i32
      %dma_start3A_328 = tpu.memref_slice %arg13[%mul3A_2, %dma_start3A_327] : memref<10112x128xf32, #tpu.memory_space<vmem_shared>> -> memref<632x128xf32, #tpu.memory_space<vmem_shared>>
      tpu.enqueue_dma source(%dma_start3A_328 : memref<632x128xf32, #tpu.memory_space<vmem_shared>>) target(%dma_start3A_326 : memref<632x128xf32, #tpu.memory_space<hbm>>) target_semaphore(%run_scoped3A_324 : memref<!tpu.dma_semaphore, #tpu.memory_space<semaphore_mem>>)
      %dma_wait3A = arith.constant 0 : i32
      %dma_wait3A_329 = tpu.memref_slice %arg6[%run_scoped3A_318, %arg0, %mul3A_2, %dma_wait3A] : memref<2x2x10112x128xf32, #tpu.memory_space<hbm>> -> memref<1x1x632x128xf32, #tpu.memory_space<hbm>>
      %dma_wait3A_330 = tpu.memref_squeeze %dma_wait3A_329 : memref<1x1x632x128xf32, #tpu.memory_space<hbm>> -> memref<632x128xf32, #tpu.memory_space<hbm>>
      %dma_wait3A_331 = arith.constant 0 : i32
      %dma_wait3A_332 = tpu.memref_slice %arg13[%mul3A_2, %dma_wait3A_331] : memref<10112x128xf32, #tpu.memory_space<vmem_shared>> -> memref<632x128xf32, #tpu.memory_space<vmem_shared>>
      tpu.wait_dma2 semaphore(%run_scoped3A_324 : memref<!tpu.dma_semaphore, #tpu.memory_space<semaphore_mem>>) src(%dma_wait3A_332 : memref<632x128xf32, #tpu.memory_space<vmem_shared>>) dst(%dma_wait3A_330 : memref<632x128xf32, #tpu.memory_space<hbm>>)
      tpu.yield
    }) : () -> ()
    %add3A_319 = arith.constant 2 : i32
    %add3A_320 = arith.addi %add3A_319, %arg0 : i32
    %mul3A_321 = arith.constant 10240 : i32
    %mul3A_322 = arith.muli %add3A_320, %mul3A_321 : i32
    %add3A_323 = arith.addi %mul3A_322, %mul3A_4 : i32
    "tpu.region"() ({
      %run_scoped3A_324 = tpu.sem_alloc : memref<!tpu.dma_semaphore, #tpu.memory_space<semaphore_mem>>
      %dma_start3A = tpu.memref_slice %arg7[%add3A_323] : memref<40960xf32, #tpu.memory_space<hbm>> -> memref<640xf32, #tpu.memory_space<hbm>>
      %dma_start3A_325 = tpu.memref_slice %arg14[%mul3A_4] : memref<10240xf32, #tpu.memory_space<vmem_shared>> -> memref<640xf32, #tpu.memory_space<vmem_shared>>
      tpu.enqueue_dma source(%dma_start3A_325 : memref<640xf32, #tpu.memory_space<vmem_shared>>) target(%dma_start3A : memref<640xf32, #tpu.memory_space<hbm>>) target_semaphore(%run_scoped3A_324 : memref<!tpu.dma_semaphore, #tpu.memory_space<semaphore_mem>>)
      %dma_wait3A = tpu.memref_slice %arg7[%add3A_323] : memref<40960xf32, #tpu.memory_space<hbm>> -> memref<640xf32, #tpu.memory_space<hbm>>
      %dma_wait3A_326 = tpu.memref_slice %arg14[%mul3A_4] : memref<10240xf32, #tpu.memory_space<vmem_shared>> -> memref<640xf32, #tpu.memory_space<vmem_shared>>
      tpu.wait_dma2 semaphore(%run_scoped3A_324 : memref<!tpu.dma_semaphore, #tpu.memory_space<semaphore_mem>>) src(%dma_wait3A_326 : memref<640xf32, #tpu.memory_space<vmem_shared>>) dst(%dma_wait3A : memref<640xf32, #tpu.memory_space<hbm>>)
      tpu.yield
    }) : () -> ()
    return
  }
}

module attributes {stable_mosaic.version = 14 : i64} {
  func.func @_mm_body(%arg0: i32, %arg1: i32, %arg2: memref<2000x128xf32, #tpu.memory_space<vmem>>, %arg3: memref<1x128x128xf32, #tpu.memory_space<vmem>>, %arg4: memref<1x1x128xf32, #tpu.memory_space<vmem>>, %arg5: memref<2000x128xf32, #tpu.memory_space<vmem>>) attributes {dimension_semantics = [#tpu.dimension_semantics<arbitrary>, #tpu.dimension_semantics<arbitrary>], iteration_bounds = array<i64: 2, 5>, scalar_prefetch = 0 : i64, scratch_operands = 0 : i64, tpu.core_type = #tpu.core_type<tc>, window_params = [{transform_indices = @transform_0, window_bounds = array<i64: 2000, 128>}, {transform_indices = @transform_1, window_bounds = array<i64: 1, 128, 128>}, {transform_indices = @transform_2, window_bounds = array<i64: 1, 1, 128>}, {transform_indices = @transform_3, window_bounds = array<i64: 2000, 128>}]} {
    %get3A = arith.constant 0 : index
    %get3A_0 = arith.constant 0 : index
    %get3A_1 = vector.load %arg2[%get3A, %get3A_0] : memref<2000x128xf32, #tpu.memory_space<vmem>>, vector<2000x128xf32>
    %get3A_2 = arith.constant 0 : index
    %get3A_3 = arith.constant 0 : index
    %get3A_4 = arith.constant 0 : index
    %get3A_5 = vector.load %arg3[%get3A_2, %get3A_3, %get3A_4] : memref<1x128x128xf32, #tpu.memory_space<vmem>>, vector<1x128x128xf32>
    %get3A_6 = vector.shape_cast %get3A_5 : vector<1x128x128xf32> to vector<128x128xf32>
    %dot_general3A = arith.constant dense<0.000000e+00> : vector<2000x128xf32>
    %dot_general3A_7 = tpu.matmul %get3A_1, %get3A_6, %dot_general3A {dimension_numbers = #tpu.dot_dimension_numbers<[1], [0], [0], [1], [0, 0, 1, 1], [], []>, transpose_lhs_hint = false} : vector<2000x128xf32>, vector<128x128xf32>, vector<2000x128xf32> -> vector<2000x128xf32>
    %get3A_8 = arith.constant 0 : index
    %get3A_9 = arith.constant 0 : index
    %get3A_10 = arith.constant 0 : index
    %get3A_11 = vector.load %arg4[%get3A_8, %get3A_9, %get3A_10] : memref<1x1x128xf32, #tpu.memory_space<vmem>>, vector<1x1x128xf32>
    %get3A_12 = vector.shape_cast %get3A_11 : vector<1x1x128xf32> to vector<1x128xf32>
    %add3A = vector.broadcast %get3A_12 : vector<1x128xf32> to vector<2000x128xf32>
    %add3A_13 = arith.addf %dot_general3A_7, %add3A : vector<2000x128xf32>
    %swap3A = arith.constant 0 : index
    %swap3A_14 = arith.constant 0 : index
    %swap3A_15 = vector.load %arg5[%swap3A, %swap3A_14] : memref<2000x128xf32, #tpu.memory_space<vmem>>, vector<2000x128xf32>
    tpu.vector_store %arg5[%swap3A, %swap3A_14], %add3A_13 {strides = array<i32>} : memref<2000x128xf32, #tpu.memory_space<vmem>>, vector<2000x128xf32>,
    return
  }
  func.func @transform_0(%arg0: i32, %arg1: i32) -> (i32, i32) {
    %mul3A = arith.constant 5 : i32
    %mul3A_0 = arith.muli %arg0, %mul3A : i32
    %add3A = arith.addi %mul3A_0, %arg1 : i32
    %c0_i32 = arith.constant 0 : i32
    %c0_i32_1 = arith.constant 0 : i32
    return %add3A, %c0_i32 : i32, i32
  }
  func.func @transform_1(%arg0: i32, %arg1: i32) -> (i32, i32, i32) {
    %c0_i32 = arith.constant 0 : i32
    %c0_i32_0 = arith.constant 0 : i32
    %c0_i32_1 = arith.constant 0 : i32
    return %arg0, %c0_i32, %c0_i32_0 : i32, i32, i32
  }
  func.func @transform_2(%arg0: i32, %arg1: i32) -> (i32, i32, i32) {
    %c0_i32 = arith.constant 0 : i32
    %c0_i32_0 = arith.constant 0 : i32
    %c0_i32_1 = arith.constant 0 : i32
    return %arg0, %c0_i32, %c0_i32_0 : i32, i32, i32
  }
  func.func @transform_3(%arg0: i32, %arg1: i32) -> (i32, i32) {
    %mul3A = arith.constant 5 : i32
    %mul3A_0 = arith.muli %arg0, %mul3A : i32
    %add3A = arith.addi %mul3A_0, %arg1 : i32
    %c0_i32 = arith.constant 0 : i32
    %c0_i32_1 = arith.constant 0 : i32
    return %add3A, %c0_i32 : i32, i32
  }
}

module attributes {stable_mosaic.version = 14 : i64} {
  func.func @_fin_body(%arg0: i32, %arg1: memref<1x2x10112x128xf32, #tpu.memory_space<vmem>>, %arg2: memref<1x1x20480xf32, #tpu.memory_space<vmem>>, %arg3: memref<1x10112x128xf32, #tpu.memory_space<vmem>>) attributes {dimension_semantics = [#tpu.dimension_semantics<arbitrary>], iteration_bounds = array<i64: 2>, scalar_prefetch = 0 : i64, scratch_operands = 0 : i64, tpu.core_type = #tpu.core_type<tc>, window_params = [{transform_indices = @transform_0, window_bounds = array<i64: 1, 2, 10112, 128>}, {transform_indices = @transform_1, window_bounds = array<i64: 1, 1, 20480>}, {transform_indices = @transform_2, window_bounds = array<i64: 1, 10112, 128>}]} {
    %get3A = arith.constant 0 : index
    %get3A_0 = arith.constant 0 : index
    %get3A_1 = arith.constant 0 : index
    %get3A_2 = arith.constant 0 : index
    %get3A_3 = vector.load %arg1[%get3A, %get3A_0, %get3A_1, %get3A_2] : memref<1x2x10112x128xf32, #tpu.memory_space<vmem>>, vector<1x1x10112x128xf32>
    %get3A_4 = vector.shape_cast %get3A_3 : vector<1x1x10112x128xf32> to vector<10112x128xf32>
    %get3A_5 = arith.constant 0 : index
    %get3A_6 = arith.constant 1 : index
    %get3A_7 = arith.constant 0 : index
    %get3A_8 = arith.constant 0 : index
    %get3A_9 = vector.load %arg1[%get3A_5, %get3A_6, %get3A_7, %get3A_8] : memref<1x2x10112x128xf32, #tpu.memory_space<vmem>>, vector<1x1x10112x128xf32>
    %get3A_10 = vector.shape_cast %get3A_9 : vector<1x1x10112x128xf32> to vector<10112x128xf32>
    %add3A = arith.addf %get3A_4, %get3A_10 : vector<10112x128xf32>
    %get3A_11 = arith.constant 0 : index
    %get3A_12 = arith.constant 0 : index
    %get3A_13 = arith.constant 0 : index
    %get3A_14 = vector.load %arg2[%get3A_11, %get3A_12, %get3A_13] : memref<1x1x20480xf32, #tpu.memory_space<vmem>>, vector<1x1x10112xf32>
    %get3A_15 = vector.shape_cast %get3A_14 : vector<1x1x10112xf32> to vector<10112xf32>
    %get3A_16 = arith.constant 0 : index
    %get3A_17 = arith.constant 0 : index
    %get3A_18 = arith.constant 10240 : index
    %get3A_19 = vector.load %arg2[%get3A_16, %get3A_17, %get3A_18] : memref<1x1x20480xf32, #tpu.memory_space<vmem>>, vector<1x1x10112xf32>
    %get3A_20 = vector.shape_cast %get3A_19 : vector<1x1x10112xf32> to vector<10112xf32>
    %add3A_21 = arith.addf %get3A_15, %get3A_20 : vector<10112xf32>
    %reshape3A = vector.shape_cast %add3A_21 : vector<10112xf32> to vector<10112x1xf32>
    %max3A = arith.constant 1.000000e+00 : f32
    %max3A_22 = vector.broadcast %max3A : f32 to vector<10112x1xf32>
    %max3A_23 = arith.maximumf %reshape3A, %max3A_22 : vector<10112x1xf32>
    %div3A = vector.broadcast %max3A_23 : vector<10112x1xf32> to vector<10112x128xf32>
    %div3A_24 = arith.divf %add3A, %div3A : vector<10112x128xf32>
    %max3A_25 = arith.constant 0.000000e+00 : f32
    %max3A_26 = vector.broadcast %max3A_25 : f32 to vector<10112x128xf32>
    %max3A_27 = arith.maximumf %div3A_24, %max3A_26 : vector<10112x128xf32>
    %swap3A = arith.constant 0 : index
    %swap3A_28 = arith.constant 0 : index
    %swap3A_29 = arith.constant 0 : index
    %swap3A_30 = vector.load %arg3[%swap3A, %swap3A_28, %swap3A_29] : memref<1x10112x128xf32, #tpu.memory_space<vmem>>, vector<1x10112x128xf32>
    %swap3A_31 = vector.shape_cast %swap3A_30 : vector<1x10112x128xf32> to vector<10112x128xf32>
    %swap3A_32 = vector.shape_cast %max3A_27 : vector<10112x128xf32> to vector<1x10112x128xf32>
    tpu.vector_store %arg3[%swap3A, %swap3A_28, %swap3A_29], %swap3A_32 {strides = array<i32>} : memref<1x10112x128xf32, #tpu.memory_space<vmem>>, vector<1x10112x128xf32>,
    return
  }
  func.func @transform_0(%arg0: i32) -> (i32, i32, i32, i32) {
    %c0_i32 = arith.constant 0 : i32
    %c0_i32_0 = arith.constant 0 : i32
    %c0_i32_1 = arith.constant 0 : i32
    %c0_i32_2 = arith.constant 0 : i32
    return %arg0, %c0_i32, %c0_i32_0, %c0_i32_1 : i32, i32, i32, i32
  }
  func.func @transform_1(%arg0: i32) -> (i32, i32, i32) {
    %c0_i32 = arith.constant 0 : i32
    %c0_i32_0 = arith.constant 0 : i32
    %c0_i32_1 = arith.constant 0 : i32
    return %arg0, %c0_i32, %c0_i32_0 : i32, i32, i32
  }
  func.func @transform_2(%arg0: i32) -> (i32, i32, i32) {
    %c0_i32 = arith.constant 0 : i32
    %c0_i32_0 = arith.constant 0 : i32
    %c0_i32_1 = arith.constant 0 : i32
    return %arg0, %c0_i32, %c0_i32_0 : i32, i32, i32
  }
}

</mosaic_0001>

<sc_bundles>
// kernel: kernel.5.cloned.1.call-start
scs
__scs_entry_jumppad:
0x0: {  	(pc) =	sbr.rel $0x88, $3  }
0x1: {  	(tag) =	ssettag $0x0;
	lr =	simm.s32 $0x1  }
0x2: {  	[smem:$0x3F99] =	sst lr;
	_ =	strace $0xD0000000  }
0x3: {  	_ = 	snop  }
0x4: {  	_ = 	snop  }
0x5: {  	_ = 	snop  }
0x6: {  	_ = 	snop  }
0x7: {  	_ = 	snop  }
__scs_overlays_trampoline_lowered:
0x8: {  	[smem:$0x3FA8] =	sst s0  }
0x9: {  	[smem:$0x3FA9] =	sst s1  }
0xa: {  	[smem:$0x3FAA] =	sst s2  }
0xb: {  	[smem:$0x3FAB] =	sst s3  }
0xc: {  	[smem:$0x3FAC] =	sst s4  }
0xd: {  	[smem:$0x3FAD] =	sst s5  }
0xe: {  	[smem:$0x3FAE] =	sst s6  }
0xf: {  	[smem:$0x3FAF] =	sst s7  }
0x10: {  	[smem:$0x3FB0] =	sst s8  }
0x11: {  	[smem:$0x3FB1] =	sst s9;
	s0 =	simm.s32 @!p0 $0x0  }
0x12: {  	s1 =	sld [smem:$0x3F97];
	s0 =	simm.s32 @p0 $0x1  }
0x13: {  	[smem:$0x3FB2] =	sst s0;
	s0 =	simm.s32 @!p1 $0x0  }
0x14: {  	s2 =	sld [smem:$0x3F96];
	s0 =	simm.s32 @p1 $0x1  }
0x15: {  	[smem:$0x3FB3] =	sst s0;
	s0 =	simm.s32 @!p2 $0x0  }
0x16: {  	s3 =	sld [smem:$0x3FDB];
	s0 =	simm.s32 @p2 $0x1  }
0x17: {  	s4 =	simm.s32 $0x1BF5;
	[smem:$0x3FB5] =	sst s0  }
0x18: {  	s0 =	sld [smem:$0x3F98];
	_ =	swait.ge [sflag:s4], $0x0  }
0x19: {  	s7 =	sld [smem:$0x3F99]  }
0x1a: {  	s8 =	sadd.s32 $0xFFFFE003, lr  }
0x1b: {  	s9 =	sadd.s32 $0xFFFFFEF7, lr;
	s5 =	simm.s32 $0xFFFFFFFF;
	p2 =	slt.u32 s8, $0xFFFFF086  }
0x1c: {  	p1 =	slt.u32 s9, $0xF7A;
	s5 =	simm.s32 @!p2 $0x0  }
0x1d: {  	s5 =	simm.s32 @p1 $0x1;
	p0 =	seq.s32 s7, s2  }
0x1e: {  	s7 =	smul.u32 @!p0 $0xF7A, s2;
	p2 =	seq.s32 @!p0 s5, $0x0  }
0x1f: {  	s9 =	smul.u32 $0xF7A, s1;
	s8 =	simm.s32 @!p0 $0x1BF5;
	p2 =	por !p2, p0  }
0x20: {  	[sflag:s8] =	ssyncset.s32 @!p0 $0xFFFFF086;
	s6 =	sadd.s32 @!p0 s3, s7;
	s7 =	simm.s32 @!p0 $0x108  }
0x21: {  	s3 =	sadd.s32 s3, s9;
	s6 =	sadd.s32 @!p0 $0x88, s6;
	s7 =	simm.s32 @p2 $0x1082  }
0x22: {  	[simem:s7], [sflag:s8] =	dma.local @!p0 [hbm:s6], $0xF7A  }
0x23: {  	s9 =	sor.u32 $0xD0000000, s2;
	s6 =	simm.s32 $0x108;
	_ =	swait.ge @!p0 [sflag:s8], $0x0  }
0x24: {  	s3 =	sadd.s32 $0x88, s3;
	s6 =	simm.s32 @!p1 $0x1082;
	[sflag:s4] =	ssyncset.s32 $0xFFFFF086  }
0x25: {  	[simem:s6], [sflag:s4] =	dma.local [hbm:s3], $0xF7A  }
0x26: {  	[smem:$0x3F99] =	sst s1;
	(tag) =	ssettag s2;
	_ =	strace s9  }
0x27: {  	s1 =	sld [smem:$0x3FA9]  }
0x28: {  	s2 =	sld [smem:$0x3FAA]  }
0x29: {  	s4 =	sld [smem:$0x3FAC]  }
0x2a: {  	p0 =	seq.s32 s5, $0x0;
	s5 =	sld [smem:$0x3FAD]  }
0x2b: {  	s6 =	sld [smem:$0x3FAE]  }
0x2c: {  	s7 =	sld [smem:$0x3FAF]  }
0x2d: {  	s3 =	simm.s32 $0x108;
	s8 =	sld [smem:$0x3FB0]  }
0x2e: {  	s3 =	simm.s32 @!p0 $0x1082;
	s9 =	sld [smem:$0x3FB1]  }
0x2f: {  	lr =	sadd.s32 s0, s3;
	s0 =	sld [smem:$0x3FA8]  }
0x30: {  	s3 =	sld [smem:$0x3FAB]  }
0x31: {  	[smem:$0x3FB4] =	sst s10  }
0x32: {  	s10 =	sld [smem:$0x3FB2];
	_ =	sdelay $0x3  }
0x33: {  	p0 =	seq.s32 s10, $0x1;
	s10 =	sld [smem:$0x3FB4];
	_ =	sdelay $0x3  }
0x34: {  	[smem:$0x3FB4] =	sst s10  }
0x35: {  	s10 =	sld [smem:$0x3FB3];
	_ =	sdelay $0x3  }
0x36: {  	p1 =	seq.s32 s10, $0x1;
	s10 =	sld [smem:$0x3FB4];
	_ =	sdelay $0x3  }
0x37: {  	[smem:$0x3FB4] =	sst s10  }
0x38: {  	s10 =	sld [smem:$0x3FB5]  }
0x39: {  	_ = 	snop;
	(pc) =	sbr.ind lr, $3  }
0x3a: {  	_ = 	snop  }
0x3b: {  	_ = 	snop  }
0x3c: {  	p2 =	seq.s32 s10, $0x1;
	s10 =	sld [smem:$0x3FB4]  }
0x3d: {  	_ =	shalt  }
0x3e: {  	_ =	shalt  }
0x3f: {  	_ =	shalt  }
0x40: {  	_ =	shalt  }
0x41: {  	_ =	shalt  }
0x42: {  	_ =	shalt  }
0x43: {  	_ =	shalt  }
0x44: {  	_ =	shalt  }
0x45: {  	_ =	shalt  }
0x46: {  	_ =	shalt  }
0x47: {  	_ =	shalt  }
0x48: {  	_ =	shalt  }
0x49: {  	_ =	shalt  }
0x4a: {  	_ =	shalt  }
0x4b: {  	_ =	shalt  }
0x4c: {  	_ =	shalt  }
0x4d: {  	_ =	shalt  }
0x4e: {  	_ =	shalt  }
0x4f: {  	_ =	shalt  }
0x50: {  	_ =	shalt  }
0x51: {  	_ =	shalt  }
0x52: {  	_ =	shalt  }
0x53: {  	_ =	shalt  }
0x54: {  	_ =	shalt  }
0x55: {  	_ =	shalt  }
0x56: {  	_ =	shalt  }
0x57: {  	_ =	shalt  }
0x58: {  	_ =	shalt  }
0x59: {  	_ =	shalt  }
0x5a: {  	_ =	shalt  }
0x5b: {  	_ =	shalt  }
0x5c: {  	_ =	shalt  }
0x5d: {  	_ =	shalt  }
0x5e: {  	_ =	shalt  }
0x5f: {  	_ =	shalt  }
0x60: {  	_ =	shalt  }
0x61: {  	_ =	shalt  }
0x62: {  	_ =	shalt  }
0x63: {  	_ =	shalt  }
0x64: {  	_ =	shalt  }
0x65: {  	_ =	shalt  }
0x66: {  	_ =	shalt  }
0x67: {  	_ =	shalt  }
0x68: {  	_ =	shalt  }
0x69: {  	_ =	shalt  }
0x6a: {  	_ =	shalt  }
0x6b: {  	_ =	shalt  }
0x6c: {  	_ =	shalt  }
0x6d: {  	_ =	shalt  }
0x6e: {  	_ =	shalt  }
0x6f: {  	_ =	shalt  }
0x70: {  	_ =	shalt  }
0x71: {  	_ =	shalt  }
0x72: {  	_ =	shalt  }
0x73: {  	_ =	shalt  }
0x74: {  	_ =	shalt  }
0x75: {  	_ =	shalt  }
0x76: {  	_ =	shalt  }
0x77: {  	_ =	shalt  }
0x78: {  	_ =	shalt  }
0x79: {  	_ =	shalt  }
0x7a: {  	_ =	shalt  }
0x7b: {  	_ =	shalt  }
0x7c: {  	_ =	shalt  }
0x7d: {  	_ =	shalt  }
0x7e: {  	_ =	shalt  }
0x7f: {  	_ =	shalt  }
0x80: {  	_ =	shalt  }
0x81: {  	_ =	shalt  }
0x82: {  	_ =	shalt  }
0x83: {  	_ =	shalt  }
0x84: {  	_ =	shalt  }
0x85: {  	_ =	shalt  }
0x86: {  	_ =	shalt  }
0x87: {  	_ =	shalt  }
.Lfunc_end0:
.L_simem_size_0:
called_computation_lowered:
.L_overlay_start_0:
0x88: {  	s2 =	sld [smem:$0x3FD9]  }
0x89: {  	s3 =	sld [smem:$0x3FFE];
	_ =	sdelay $0x1  }
0x8a: {  	s1 =	srdreg.scid  }
0x8b: {  	s0 =	sand.u32 $0x1, s1  }
0x8c: {  	s14 =	sshll.u32 s0, $0xA;
	s2 =	sadd.s32 s3, s2  }
0x8d: {  	s2 =	sadd.s32 s2, s14  }
0x8e: {  	[smem:$0x3FC0] =	sst s2  }
0x8f: {  	_ = 	snop  }
0x90: {  	s2 =	sld [smem:$0x3FD0];
	_ =	sdelay $0x2  }
0x91: {  	s15 =	simm.s32 $0xA;
	s4 =	simm.s32 $0x10  }
0x92: {  	[smem:s4], [sflag:s15] =	dma.local [hbm:s2], $0x1  }
0x93: {  	_ =	swait.eq [sflag:s15], $0x1  }
0x94: {  	[sflag:s15] =	ssyncset.done $0x0  }
0x95: {  	s16 =	sld [smem:$0x10];
	[sflag:s15] =	ssyncadd.s32 $0xFFFFFFFF  }
0x96: {  	s17 =	sld [smem:$0x11];
	(tm) =	ssettm $0x1  }
0x97: {  	s18 =	sld [smem:$0x3FFB];
	_ =	sdelay $0x3  }
0x98: {  	_ =	strace s18  }
0x99: {  	s4 =	sld [smem:$0x3FFC];
	_ =	sdelay $0x3  }
0x9a: {  	_ =	strace s4  }
0x9b: {  	s4 =	sld [smem:$0x3FFD];
	_ =	sdelay $0x3  }
0x9c: {  	_ =	strace s4  }
0x9d: {  	_ =	strace $0x8FFFFFFF  }
0x9e: {  	s19 =	sld [smem:$0x3FDB];
	_ =	sdelay $0x1  }
0x9f: {  	s5 =	simm.s32 $_scs_section_size  }
0xa0: {  	s6 =	simm.s32 $_size__tile_overlayer_lowered;
	s7 =	simm.s32 $_tile_overlayer_lowered  }
0xa1: {  	s22 =	simm.s32 $0x1BFF;
	s21 =	sshll.u32 s7, $0x1;
	s4 =	sadd.s32 s5, s19  }
0xa2: {  	s8 =	simm.s32 $0x0;
	s20 =	sshll.u32 s6, $0x1;
	s6 =	sadd.s32 s21, s4  }
0xa3: {  	[timem:s8], [sflag:s22] =	dma.local [hbm:s6], s20  }
0xa4: {  	_ =	swait.ge [sflag:s22], s20  }
0xa5: {  	s5 =	ssub.s32 $0x0, s20;
	[sflag:s22] =	ssyncset.done $0x0  }
0xa6: {  	[sflag:s22] =	ssyncadd.s32 s5;
	_ =	sdelay $0x1  }
0xa7: {  	s23 =	simm.s32 $0x1B8B  }
0xa8: {  	_ =	swait.ge [sflag:s23], $0x1  }
0xa9: {  	[sflag:s23] =	ssyncset.done $0x0  }
0xaa: {  	s25 =	simm.s32 $0x1B8E;
	s24 =	sld [smem:$0x3FFE];
	[sflag:s23] =	ssyncadd.s32 $0xFFFFFFFF  }
0xab: {  	s26 =	simm.s32 $execute0_lowered;
	[smem:$0x3FD2] =	sst s25  }
0xac: {  	s6 =	sshll.u32 s26, $0x1;
	_ =	strace $0x80000046;
	[dreg:$0x1] =	wrdreg $0xFFFFFFFF  }
0xad: {  	s28 =	simm.s32 $_size_execute0_lowered;
	s4 =	sadd.s32 s4, s6;
	[dreg:$0x0] =	wrdreg $0x0  }
0xae: {  	s6 =	sshll.u32 s28, $0x1;
	[dreg:$0x2] =	wrdreg s4  }
0xaf: {  	[dreg:$0x3] =	wrdreg s6  }
0xb0: {  	[dreg:$0x4] =	wrdreg $0xC0  }
0xb1: {  	_ =	task [dreg:s8], $0x5FFFF  }
0xb2: {  	[dreg:$0x1] =	wrdreg $0xFFFFFFFF  }
0xb3: {  	[dreg:$0x0] =	wrdreg $0x60  }
0xb4: {  	[dreg:$0x2] =	wrdreg s24  }
0xb5: {  	[dreg:$0x3] =	wrdreg s16  }
0xb6: {  	[dreg:$0x4] =	wrdreg s17  }
0xb7: {  	[dreg:$0x5] =	wrdreg $0x93000  }
0xb8: {  	[dreg:$0x6] =	wrdreg $0x1CF000  }
0xb9: {  	[dreg:$0x7] =	wrdreg $0x9  }
0xba: {  	_ =	task.clear_ibuf [dreg:s8], $0x8FFFF;
	_ =	strace $0x90000046  }
0xbb: {  	s29 =	simm.s32 $0x9;
	_ =	strace $0x80000048  }
0xbc: {  	_ =	swait.ge [sflag:s29], $0x1  }
0xbd: {  	[sflag:s29] =	ssyncadd.s32 $0xFFFFFFFF  }
0xbe: {  	_ =	strace $0x90000048  }
0xbf: {  	_ =	sfence  }
0xc0: {  	s30 =	sld [smem:$0x0];
	_ =	sdelay $0x2  }
0xc1: {  	s31 =	sshll.u32 s1, $0xD;
	s1 =	sshrl.u32 s1, $0x2  }
0xc2: {  	s3 =	sand.u32 $0x4000, s31;
	s1 =	sadd.s32 s1, s30  }
0xc3: {  	s0 =	sor.u32 s3, s0;
	s1 =	sshll.u32 s1, $0x11  }
0xc4: {  	s0 =	sor.u32 s1, s0  }
0xc5: {  	s0 =	sadd.s32 $0x8F2B, s0  }
0xc6: {  	[sflag:s0] =	ssyncadd.remote.s32 $0x1  }
0xc7: {  	_ =	sfence.sel $0xFFFF  }
0xc8: {  	[dreg:$0x0] =	wrdreg $0xFFFFFFFF;
	(pc) =	sbr.abs _section_cstart, $3  }
0xc9: {  	[dreg:$0x1] =	wrdreg $0xFFFFFFFF  }
0xca: {  	_ =	task.clear_ibuf [dreg:s8], $0x2FFFF;
	_ =	strace $0x9FFFFFFF  }
0xcb: {  	(tm) =	ssettm $0x7FFFFFFF  }
tec
execute0_lowered:
.L_overlay_start_1:
0x0: {  	(tag) =	ssettag $0x1  }
0x1: {  	s6 =	rddreg [dreg:$0x0]  }
0x2: {  	s14 =	rddreg [dreg:$0x1]  }
0x3: {  	s15 =	rddreg [dreg:$0x2]  }
0x4: {  	s2 =	rddreg [dreg:$0x3]  }
0x5: {  	s0 =	stileid.u32;
	s1 =	srdreg.scid  }
0x6: {  	s3 =	rddreg [dreg:$0x4];
	s4 =	simm.s32 $0x0;
	s7 =	smul.u32 $0x13C00, s0  }
0x7: {  	s20 =	simm.s32 $0x9080;
	s8 =	sand.u32 $0x1, s1;
	s10 =	smul.u32 $0x280, s0  }
0x8: {  	[smem:$0x7FF] =	sst s4;
	s5 =	sadd.s32 $0x1800, s6;
	s23 =	smul.u32 $0x4F000, s0  }
0x9: {  	s31 =	sshll.u32 s0, $0x6;
	s9 =	smul.u32 $0x13C000, s8;
	_ =	strace $0x80000047  }
0xa: {  	s11 =	smul.u32 $0x2800, s8;
	s24 =	ssub.s32 $0x2, s8;
	s25 =	sshll.u32 s8, $0x4  }
0xb: {  	s8 =	sor.u32 $0x1C02, s31;
	s12 =	sshrl.u32 s7, $0x3;
	s26 =	sshrl.u32 s24, $0x1  }
0xc: {  	s28 =	sor.u32 s0, s25;
	s29 =	sshrl.u32 s23, $0x2;
	s23 =	simm.s32 $0x5000  }
0xd: {  	s25 =	simm.s32 $0x9000;
	s7 =	sadd.s32 s7, s9;
	s21 =	sadd.s32 s12, s6  }
0xe: {  	s11 =	sadd.s32 s10, s11;
	s18 =	ssub.s32 s24, s26;
	s30 =	smul.u32 $0x2800, s28  }
0xf: {  	s12 =	smul.u32 $0x500, s28;
	s9 =	sadd.s32 s10, s3;
	s24 =	simm.s32 $0x1  }
0x10: {  	s26 =	simm.s32 $0x0;
	s7 =	sshrl.u32 s7, $0x3;
	s22 =	sshrl.u32 s11, $0x3  }
0x11: {  	s18 =	smax.u32 s18, $0x1;
	s16 =	sadd.s32 s7, s6;
	s17 =	sadd.s32 s22, s6  }
0x12: {  	s6 =	sadd.s32 s29, s2;
	s7 =	sadd.s32 $0x4FA00, s21;
	s13 =	sshrl.u32 s30, $0x3  }
0x13: {  	s10 =	sadd.s32 s14, s12;
	s11 =	sadd.s32 s15, s12;
	s21 =	simm.s32 $0x2800  }
0x14: {  	s22 =	simm.s32 $0x80;
	s19 =	sadd.s32 $0xA000, s13;
	s12 =	sadd.s32 $0x78600, s16  }
0x15: {  	s13 =	sadd.s32 $0x77200, s17;
	s16 =	sadd.s32 $0xC7600, s16;
	s17 =	sadd.s32 $0x77C00, s17  }
0x16: {  	v0 =	vimm.f32 $1.000000000e+00;
	v1 =	vimm.f32 $0.0e+00;
	s14 =	sadd.s32 s14, s19;
	s15 =	sadd.s32 s15, s19;
	s19 =	simm.s32 $0x2  }
.LBB2_1:
0x17: {  	[tilespmem:$0x9000] =	vst v0  }
0x18: {  	[tilespmem:$0x9010] =	vst v0  }
0x19: {  	[tilespmem:$0x9020] =	vst v0  }
0x1a: {  	[tilespmem:$0x9030] =	vst v0  }
0x1b: {  	[tilespmem:$0x9040] =	vst v0  }
0x1c: {  	[tilespmem:$0x9050] =	vst v0  }
0x1d: {  	[tilespmem:$0x9060] =	vst v0  }
0x1e: {  	[tilespmem:$0x9070] =	vst v0  }
0x1f: {  	[tilespmem:$0x9080] =	vst v1  }
0x20: {  	[tilespmem:$0x9090] =	vst v1  }
0x21: {  	[tilespmem:$0x90A0] =	vst v1  }
0x22: {  	[tilespmem:$0x90B0] =	vst v1  }
0x23: {  	[tilespmem:$0x90C0] =	vst v1  }
0x24: {  	[tilespmem:$0x90D0] =	vst v1  }
0x25: {  	[tilespmem:$0x90E0] =	vst v1  }
0x26: {  	[tilespmem:$0x90F0] =	vst v1  }
0x27: {  	[tilespmem:$0x9100] =	vst v1  }
0x28: {  	[tilespmem:$0x9110] =	vst v1  }
0x29: {  	[tilespmem:$0x9120] =	vst v1  }
0x2a: {  	[tilespmem:$0x9130] =	vst v1  }
0x2b: {  	[tilespmem:$0x9140] =	vst v1  }
0x2c: {  	[tilespmem:$0x9150] =	vst v1  }
0x2d: {  	[tilespmem:$0x9160] =	vst v1  }
0x2e: {  	[tilespmem:$0x9170] =	vst v1  }
0x2f: {  	[tilespmem:$0x9180] =	vst v1  }
0x30: {  	[tilespmem:$0x9190] =	vst v1  }
0x31: {  	[tilespmem:$0x91A0] =	vst v1  }
0x32: {  	[tilespmem:$0x91B0] =	vst v1  }
0x33: {  	[tilespmem:$0x91C0] =	vst v1  }
0x34: {  	[tilespmem:$0x91D0] =	vst v1  }
0x35: {  	[tilespmem:$0x91E0] =	vst v1  }
0x36: {  	[tilespmem:$0x91F0] =	vst v1  }
0x37: {  	[tilespmem:$0x9200] =	vst v1  }
0x38: {  	[tilespmem:$0x9210] =	vst v1  }
0x39: {  	[tilespmem:$0x9220] =	vst v1  }
0x3a: {  	[tilespmem:$0x9230] =	vst v1  }
0x3b: {  	[tilespmem:$0x9240] =	vst v1  }
0x3c: {  	[tilespmem:$0x9250] =	vst v1  }
0x3d: {  	[tilespmem:$0x9260] =	vst v1  }
0x3e: {  	[tilespmem:$0x9270] =	vst v1  }
0x3f: {  	[tilespmem:$0x9280] =	vst v1  }
0x40: {  	[tilespmem:$0x9290] =	vst v1  }
0x41: {  	[tilespmem:$0x92A0] =	vst v1  }
0x42: {  	[tilespmem:$0x92B0] =	vst v1  }
0x43: {  	[tilespmem:$0x92C0] =	vst v1  }
0x44: {  	[tilespmem:$0x92D0] =	vst v1  }
0x45: {  	[tilespmem:$0x92E0] =	vst v1  }
0x46: {  	[tilespmem:$0x92F0] =	vst v1;
	s28 =	sshrl.u32 s6, $0x3  }
0x47: {  	[spmem:s28], [sflag:s8] =	dma.local [hbm:s7], $0x2780  }
0x48: {  	_ =	swait.ge [sflag:s19], $0x2780  }
0x49: {  	[sflag:s19] =	ssyncset.done $0x0  }
0x4a: {  	[sflag:s19] =	ssyncadd.s32 $0xFFFFD880  }
0x4b: {  	[spmem:s9] =	stream.linear.scatter [tilespmem:s20], [sflag:$0x2], $0x280, $0x38;
	[tilespmem:$0x1D180] =	vst v63  }
0x4c: {  	_ =	swait.ge [sflag:s19], $0x280  }
0x4d: {  	[sflag:s19] =	ssyncset.done $0x0  }
0x4e: {  	[sflag:s19] =	ssyncadd.s32 $0xFFFFFD80  }
0x4f: {  	[tilespmem:s4], [sflag:$0x2] =	stream.linear.gather [hbm4b:s10+s4], $0x2780, $0x38;
	[tilespmem:$0x1D180] =	vst v63  }
0x50: {  	_ =	swait.ge [sflag:s19], $0x2780  }
0x51: {  	[sflag:s19] =	ssyncset.done $0x0  }
0x52: {  	[sflag:s19] =	ssyncadd.s32 $0xFFFFD880  }
0x53: {  	[tilespmem:s21], [sflag:$0x2] =	stream.linear.gather [hbm4b:s11+s4], $0x2780, $0x38;
	[tilespmem:$0x1D180] =	vst v63  }
0x54: {  	_ =	swait.ge [sflag:s19], $0x2780  }
0x55: {  	[sflag:s19] =	ssyncset.done $0x0  }
0x56: {  	[sflag:s19] =	ssyncadd.s32 $0xFFFFD880  }
0x57: {  	s29 =	simm.s32 $0x0;
	[bflag:$0x0] =	sbarrier.arrive $0xFFFF  }
0x58: {  	[tilespmem:s23], [sflag:$0x1] =	stream.indirect.gather [hbm4b:s5+s22], $0x80, s29, s22, $0xb8;
	[tilespmem:$0x1D180] =	vst v63  }
0x59: {  	_ =	swait.ge [sflag:s24], $0x4000  }
0x5a: {  	[sflag:s24] =	ssyncset.done $0x0  }
0x5b: {  	s29 =	simm.s32 $0x2800;
	[sflag:s24] =	ssyncadd.s32 $0xFFFFC000  }
0x5c: {  	[spmem:s2] =	stream.indirect.scatter.add.f32 [tilespmem:s23], [sflag:$0x2], $0x80, s29, s22, $0xb8;
	[tilespmem:$0x1D180] =	vst v63  }
0x5d: {  	_ =	swait.ge [sflag:s19], $0x4000  }
0x5e: {  	[sflag:s19] =	ssyncset.done $0x0  }
0x5f: {  	[sflag:s19] =	ssyncadd.s32 $0xFFFFC000  }
0x60: {  	[spmem:s3] =	stream.indirect.scatter.add.f32 [tilespmem:s25], [sflag:$0x2], $0x1, s29, s22, $0xb8;
	[tilespmem:$0x1D180] =	vst v63  }
0x61: {  	_ =	swait.ge [sflag:s19], $0x80  }
0x62: {  	s30 =	simm.s32 $0x400;
	s29 =	simm.s32 $0x200;
	[sflag:s19] =	ssyncset.done $0x0  }
.LBB2_2:
0x63: {  	s31 =	sshra.s32 s29, $0x2  }
0x64: {  	[sflag:s19] =	ssyncadd.s32 $0xFFFFFF80;
	s29 =	smov.u32 s30;
	s1 =	sadd.s32 $0x200, s30  }
0x65: {  	[tilespmem:s23], [sflag:$0x1] =	stream.indirect.gather [hbm4b:s5+s22], $0x80, s31, s22, $0xb8;
	[tilespmem:$0x1D180] =	vst v63  }
0x66: {  	p0 =	sne.s32 s30, $0x9C00;
	_ =	swait.ge [sflag:s24], $0x4000  }
0x67: {  	[sflag:s24] =	ssyncset.done $0x0  }
0x68: {  	s30 =	sadd.s32 $0x2800, s31;
	[sflag:s24] =	ssyncadd.s32 $0xFFFFC000  }
0x69: {  	[spmem:s2] =	stream.indirect.scatter.add.f32 [tilespmem:s23], [sflag:$0x2], $0x80, s30, s22, $0xb8;
	[tilespmem:$0x1D180] =	vst v63  }
0x6a: {  	_ =	swait.ge [sflag:s19], $0x4000  }
.Ltmp0:
0x6b: {  	[sflag:s19] =	ssyncset.done $0x0;
	(pc) =	sbr.rel @p0 .LBB2_2-.Ltmp0, $4  }
0x6c: {  	[sflag:s19] =	ssyncadd.s32 $0xFFFFC000  }
0x6d: {  	[spmem:s3] =	stream.indirect.scatter.add.f32 [tilespmem:s25], [sflag:$0x2], $0x1, s30, s22, $0xb8;
	[tilespmem:$0x1D180] =	vst v63  }
0x6e: {  	_ =	swait.ge [sflag:s19], $0x80  }
0x6f: {  	s30 =	smov.u32 s1;
	[sflag:s19] =	ssyncset.done $0x0  }
0x70: {  	s1 =	sshra.s32 s29, $0x2;
	[sflag:s19] =	ssyncadd.s32 $0xFFFFFF80  }
0x71: {  	[tilespmem:s23], [sflag:$0x1] =	stream.indirect.gather [hbm4b:s5+s22], $0x80, s1, s22, $0xb8;
	[tilespmem:$0x1D180] =	vst v63  }
0x72: {  	_ =	swait.ge [sflag:s24], $0x4000  }
0x73: {  	[sflag:s24] =	ssyncset.done $0x0  }
0x74: {  	s1 =	sadd.s32 $0x2800, s1;
	[sflag:s24] =	ssyncadd.s32 $0xFFFFC000  }
0x75: {  	[spmem:s2] =	stream.indirect.scatter.add.f32 [tilespmem:s23], [sflag:$0x2], $0x80, s1, s22, $0xb8;
	[tilespmem:$0x1D180] =	vst v63  }
0x76: {  	_ =	swait.ge [sflag:s19], $0x4000  }
0x77: {  	[sflag:s19] =	ssyncset.done $0x0  }
0x78: {  	[sflag:s19] =	ssyncadd.s32 $0xFFFFC000  }
0x79: {  	[spmem:s3] =	stream.indirect.scatter.add.f32 [tilespmem:s25], [sflag:$0x2], $0x1, s1, s22, $0xb8;
	[tilespmem:$0x1D180] =	vst v63  }
0x7a: {  	_ =	swait.ge [sflag:s19], $0x80  }
0x7b: {  	[sflag:s19] =	ssyncset.done $0x0  }
0x7c: {  	[sflag:s19] =	ssyncadd.s32 $0xFFFFFF80  }
0x7d: {  	[bflag:$0x0] =	sbarrier.arrive $0xFFFF  }
0x7e: {  	[hbm:s12], [sflag:s8] =	dma.local [spmem:s28], $0x2780  }
0x7f: {  	_ =	swait.ge [sflag:s19], $0x2780  }
0x80: {  	[sflag:s19] =	ssyncset.done $0x0  }
0x81: {  	s29 =	sshrl.u32 s9, $0x3;
	[sflag:s19] =	ssyncadd.s32 $0xFFFFD880  }
0x82: {  	[hbm:s13], [sflag:s8] =	dma.local [spmem:s29], $0x50  }
0x83: {  	_ =	swait.ge [sflag:s19], $0x50  }
0x84: {  	[sflag:s19] =	ssyncset.done $0x0  }
0x85: {  	[sflag:s19] =	ssyncadd.s32 $0xFFFFFFB0  }
0x86: {  	[spmem:s28], [sflag:s8] =	dma.local [hbm:s7], $0x2780  }
0x87: {  	_ =	swait.ge [sflag:s19], $0x2780  }
0x88: {  	[sflag:s19] =	ssyncset.done $0x0  }
0x89: {  	[sflag:s19] =	ssyncadd.s32 $0xFFFFD880  }
0x8a: {  	[spmem:s9] =	stream.linear.scatter [tilespmem:s20], [sflag:$0x2], $0x280, $0x38;
	[tilespmem:$0x1D180] =	vst v63  }
0x8b: {  	_ =	swait.ge [sflag:s19], $0x280  }
0x8c: {  	[sflag:s19] =	ssyncset.done $0x0  }
0x8d: {  	s0 =	simm.s32 $0x0;
	[sflag:s19] =	ssyncadd.s32 $0xFFFFFD80  }
0x8e: {  	[tilespmem:s0], [sflag:$0x2] =	stream.linear.gather [hbm4b:s14+s0], $0x2780, $0x38;
	[tilespmem:$0x1D180] =	vst v63  }
0x8f: {  	_ =	swait.ge [sflag:s19], $0x2780  }
0x90: {  	[sflag:s19] =	ssyncset.done $0x0  }
0x91: {  	[sflag:s19] =	ssyncadd.s32 $0xFFFFD880  }
0x92: {  	[tilespmem:s21], [sflag:$0x2] =	stream.linear.gather [hbm4b:s15+s0], $0x2780, $0x38;
	[tilespmem:$0x1D180] =	vst v63  }
0x93: {  	_ =	swait.ge [sflag:s19], $0x2780  }
0x94: {  	[sflag:s19] =	ssyncset.done $0x0  }
0x95: {  	[sflag:s19] =	ssyncadd.s32 $0xFFFFD880  }
0x96: {  	s0 =	simm.s32 $0x0;
	[bflag:$0x0] =	sbarrier.arrive $0xFFFF  }
0x97: {  	[tilespmem:s23], [sflag:$0x1] =	stream.indirect.gather [hbm4b:s5+s22], $0x80, s0, s22, $0xb8;
	[tilespmem:$0x1D180] =	vst v63  }
0x98: {  	_ =	swait.ge [sflag:s24], $0x4000  }
0x99: {  	[sflag:s24] =	ssyncset.done $0x0  }
0x9a: {  	s0 =	simm.s32 $0x2800;
	[sflag:s24] =	ssyncadd.s32 $0xFFFFC000  }
0x9b: {  	[spmem:s2] =	stream.indirect.scatter.add.f32 [tilespmem:s23], [sflag:$0x2], $0x80, s0, s22, $0xb8;
	[tilespmem:$0x1D180] =	vst v63  }
0x9c: {  	_ =	swait.ge [sflag:s19], $0x4000  }
0x9d: {  	[sflag:s19] =	ssyncset.done $0x0  }
0x9e: {  	[sflag:s19] =	ssyncadd.s32 $0xFFFFC000  }
0x9f: {  	[spmem:s3] =	stream.indirect.scatter.add.f32 [tilespmem:s25], [sflag:$0x2], $0x1, s0, s22, $0xb8;
	[tilespmem:$0x1D180] =	vst v63  }
0xa0: {  	_ =	swait.ge [sflag:s19], $0x80  }
0xa1: {  	s30 =	simm.s32 $0x200;
	s31 =	simm.s32 $0x400;
	[sflag:s19] =	ssyncset.done $0x0  }
.LBB2_4:
0xa2: {  	s1 =	sshra.s32 s30, $0x2  }
0xa3: {  	[sflag:s19] =	ssyncadd.s32 $0xFFFFFF80;
	s30 =	smov.u32 s31;
	s0 =	sadd.s32 $0x200, s31  }
0xa4: {  	[tilespmem:s23], [sflag:$0x1] =	stream.indirect.gather [hbm4b:s5+s22], $0x80, s1, s22, $0xb8;
	[tilespmem:$0x1D180] =	vst v63  }
0xa5: {  	p0 =	sne.s32 s31, $0x9C00;
	_ =	swait.ge [sflag:s24], $0x4000  }
0xa6: {  	[sflag:s24] =	ssyncset.done $0x0  }
0xa7: {  	s1 =	sadd.s32 $0x2800, s1;
	[sflag:s24] =	ssyncadd.s32 $0xFFFFC000  }
0xa8: {  	[spmem:s2] =	stream.indirect.scatter.add.f32 [tilespmem:s23], [sflag:$0x2], $0x80, s1, s22, $0xb8;
	[tilespmem:$0x1D180] =	vst v63  }
0xa9: {  	_ =	swait.ge [sflag:s19], $0x4000  }
.Ltmp1:
0xaa: {  	[sflag:s19] =	ssyncset.done $0x0;
	(pc) =	sbr.rel @p0 .LBB2_4-.Ltmp1, $4  }
0xab: {  	[sflag:s19] =	ssyncadd.s32 $0xFFFFC000  }
0xac: {  	[spmem:s3] =	stream.indirect.scatter.add.f32 [tilespmem:s25], [sflag:$0x2], $0x1, s1, s22, $0xb8;
	[tilespmem:$0x1D180] =	vst v63  }
0xad: {  	_ =	swait.ge [sflag:s19], $0x80  }
0xae: {  	s31 =	smov.u32 s0;
	[sflag:s19] =	ssyncset.done $0x0  }
0xaf: {  	s0 =	sshra.s32 s30, $0x2;
	[sflag:s19] =	ssyncadd.s32 $0xFFFFFF80  }
0xb0: {  	[tilespmem:s23], [sflag:$0x1] =	stream.indirect.gather [hbm4b:s5+s22], $0x80, s0, s22, $0xb8;
	[tilespmem:$0x1D180] =	vst v63  }
0xb1: {  	_ =	swait.ge [sflag:s24], $0x4000  }
0xb2: {  	[sflag:s24] =	ssyncset.done $0x0  }
0xb3: {  	s0 =	sadd.s32 $0x2800, s0;
	[sflag:s24] =	ssyncadd.s32 $0xFFFFC000  }
0xb4: {  	[spmem:s2] =	stream.indirect.scatter.add.f32 [tilespmem:s23], [sflag:$0x2], $0x80, s0, s22, $0xb8;
	[tilespmem:$0x1D180] =	vst v63  }
0xb5: {  	_ =	swait.ge [sflag:s19], $0x4000  }
0xb6: {  	[sflag:s19] =	ssyncset.done $0x0  }
0xb7: {  	[sflag:s19] =	ssyncadd.s32 $0xFFFFC000  }
0xb8: {  	[spmem:s3] =	stream.indirect.scatter.add.f32 [tilespmem:s25], [sflag:$0x2], $0x1, s0, s22, $0xb8;
	[tilespmem:$0x1D180] =	vst v63  }
0xb9: {  	_ =	swait.ge [sflag:s19], $0x80  }
0xba: {  	[sflag:s19] =	ssyncset.done $0x0  }
0xbb: {  	[sflag:s19] =	ssyncadd.s32 $0xFFFFFF80  }
0xbc: {  	[bflag:$0x0] =	sbarrier.arrive $0xFFFF  }
0xbd: {  	[hbm:s16], [sflag:s8] =	dma.local [spmem:s28], $0x2780  }
0xbe: {  	s26 =	sadd.s32 $0x1, s26;
	_ =	swait.ge [sflag:s19], $0x2780  }
0xbf: {  	p0 =	sne.s32 s26, s18;
	[sflag:s19] =	ssyncset.done $0x0  }
.Ltmp2:
0xc0: {  	[sflag:s19] =	ssyncadd.s32 $0xFFFFD880;
	(pc) =	sbr.rel @p0 .LBB2_1-.Ltmp2, $4  }
0xc1: {  	[hbm:s17], [sflag:s8] =	dma.local [spmem:s29], $0x50  }
0xc2: {  	_ =	swait.ge [sflag:s19], $0x50  }
0xc3: {  	[sflag:s19] =	ssyncset.done $0x0  }
0xc4: {  	[sflag:s19] =	ssyncadd.s32 $0xFFFFFFB0  }
0xc5: {  	_ =	sfence.sel $0x180000  }
0xc6: {  	[bflag:$0x0] =	sbarrier.arrive $0xFFFF  }
0xc7: {  	_ =	strace $0x90000047  }
0xc8: {  	s0 =	stileid.u32;
	[bflag:$0x2] =	sbarrier.arrive $0xFFFF  }
0xc9: {  	p0 =	sne.s32 s0, $0x0;
	s0 =	rddreg [dreg:$0x5]  }
0xca: {  	s0 =	sadd.s32 @!p0 $0x100000, s0  }
0xcb: {  	[sflag:s0] =	ssyncadd.tile.s32 @!p0 $0x1;
	_ =	shalt  }
.Lfunc_end2:
_tile_overlayer_lowered:
.L_overlay_start_2:
0xcc: {  	(tag) =	ssettag $0x2  }
0xcd: {  	s0 =	rddreg [dreg:$0x0];
	s2 =	stileid.u32  }
0xce: {  	s1 =	rddreg [dreg:$0x1];
	p0 =	sne.s32 s2, $0x0  }
0xcf: {  	s3 =	rddreg [dreg:$0x2];
	[bflag:$0x3] =	sbarrier.arrive $0xFFFF;
	s2 =	simm.s32 @!p0 $0x1C02  }
0xd0: {  	[timem:s3], [sflag:s2] =	dma.local @!p0 [hbm:s0], s1  }
0xd1: {  	s0 =	simm.s32 @!p0 $0x2  }
0xd2: {  	_ =	swait.ge @!p0 [sflag:s0], s1  }
0xd3: {  	s1 =	ssub.s32 @!p0 $0x0, s1;
	[sflag:s0] =	ssyncset.done @!p0 $0x0  }
0xd4: {  	[sflag:s0] =	ssyncadd.s32 @!p0 s1  }
0xd5: {  	[bflag:$0x3] =	sbarrier.arrive $0xFFFF  }
0xd6: {  	_ =	shalt  }

</sc_bundles>
